<compile_context>
chip_gen: v7x
topology: tpu7x:2x2x1
jax: 0.10.2.dev20260603
libtpu: 0.0.44.dev20260713+nightly
codegen_flags: <defaults>
</compile_context>

<pallas_src>
import functools
import math

import jax
import jax.numpy as jnp
from jax import lax
from jax.experimental import pallas as pl
from jax.experimental.pallas import tpu as pltpu
from jax.experimental.pallas import tpu_sc as plsc

_L = 16
_CHUNK = 400


@functools.lru_cache(maxsize=None)
def _make_sc_kernel(E, N):
    info = plsc.get_sparse_core_info()
    nc, ns = info.num_cores, info.num_subcores
    nw = nc * ns
    assert E % (nw * _CHUNK) == 0
    edges_per_tile = E // nw
    n_chunks = edges_per_tile // _CHUNK
    n2 = 2 * N

    mesh = plsc.VectorSubcoreMesh(core_axis_name="c", subcore_axis_name="s")

    lin_t = [
        pltpu.VMEM((_CHUNK,), jnp.int32),
        pltpu.VMEM((_CHUNK,), jnp.int32),
        pltpu.VMEM((_CHUNK,), jnp.float32),
        pltpu.VMEM((_CHUNK,), jnp.float32),
        pltpu.VMEM((_CHUNK,), jnp.float32),
    ]
    row_t = [
        pltpu.VMEM((_CHUNK, 8), jnp.float32),
        pltpu.VMEM((_CHUNK, 8), jnp.float32),
    ]

    @functools.partial(
        pl.kernel,
        mesh=mesh,
        compiler_params=pltpu.CompilerParams(
            needs_layout_passes=False, use_tc_tiling_on_sc=False),
        out_type=jax.ShapeDtypeStruct((nw * n2,), jnp.float32),
        scratch_types=(
            lin_t + lin_t + row_t + row_t
            + [
                pltpu.VMEM((_L,), jnp.float32),
                pltpu.VMEM((n2,), jnp.float32),
                pltpu.SemaphoreType.DMA,
                pltpu.SemaphoreType.DMA,
                pltpu.SemaphoreType.DMA,
                pltpu.SemaphoreType.DMA,
            ]
        ),
    )
    def k(ta_hbm, tb_hbm, i_hbm, j_hbm, dx_hbm, dy_hbm, q_hbm, eps_hbm,
          out_hbm,
          i0, j0, dx0, dy0, q0, i1, j1, dx1, dy1, q1,
          ta0, tb0, ta1, tb1, eps_v, acc,
          sl0, sl1, sg0, sg1):
        cid = lax.axis_index("c")
        sid = lax.axis_index("s")
        wid = sid * nc + cid
        lin = [(i0, j0, dx0, dy0, q0), (i1, j1, dx1, dy1, q1)]
        rows_b = [(ta0, tb0), (ta1, tb1)]
        sem_l = [sl0, sl1]
        sem_g = [sg0, sg1]

        def lin_pairs(ci, s):
            base = wid * edges_per_tile + ci * _CHUNK
            srcs = (i_hbm, j_hbm, dx_hbm, dy_hbm, q_hbm)
            return [(h.at[pl.ds(base, _CHUNK)], b)
                    for h, b in zip(srcs, lin[s])]

        def issue_lin(ci, s):
            for src, dst in lin_pairs(ci, s):
                pltpu.make_async_copy(src, dst, sem_l[s]).start()

        def drain_lin(ci, s):
            for src, dst in lin_pairs(ci, s):
                pltpu.make_async_copy(src, dst, sem_l[s]).wait()

        def issue_gather(s):
            pltpu.make_async_copy(
                ta_hbm.at[lin[s][0]], rows_b[s][0], sem_g[s]).start()
            pltpu.make_async_copy(
                tb_hbm.at[lin[s][1]], rows_b[s][1], sem_g[s]).start()

        def drain_gather(s):
            pltpu.make_async_copy(
                ta_hbm.at[lin[s][0]], rows_b[s][0], sem_g[s]).wait()
            pltpu.make_async_copy(
                tb_hbm.at[lin[s][1]], rows_b[s][1], sem_g[s]).wait()

        issue_lin(0, 0)
        issue_lin(1, 1)

        @plsc.parallel_loop(0, n2 // _L, unroll=8)
        def _zero(g):
            acc[pl.ds(g * _L, _L)] = jnp.zeros((_L,), jnp.float32)

        pltpu.sync_copy(eps_hbm, eps_v)
        eps = eps_v[...]
        iota = lax.iota(jnp.int32, _L)
        cols = [jnp.full((_L,), c, jnp.int32) for c in range(8)]

        def compute(s):
            ta_v, tb_v = rows_b[s]
            i_v, _, dx_v, dy_v, q_v = lin[s]

            @plsc.parallel_loop(0, _CHUNK // _L, unroll=4)
            def group(g):
                b = g * _L
                rws = b + iota

                def col(ref, c):
                    return plsc.load_gather(ref, [rws, cols[c]])

                rjx, rjy = col(ta_v, 0), col(ta_v, 1)
                uix, uiy = col(ta_v, 2), col(ta_v, 3)
                mu, rhi = col(ta_v, 4), col(ta_v, 5)
                rix, riy = col(tb_v, 0), col(tb_v, 1)
                ujx, ujy = col(tb_v, 2), col(tb_v, 3)
                mjc, rhj = col(tb_v, 4), col(tb_v, 5)
                dx = dx_v[pl.ds(b, _L)]
                dy = dy_v[pl.ds(b, _L)]
                q = q_v[pl.ds(b, _L)]

                rx = rix - rjx
                ry = riy - rjy
                rij2 = rx * rx + ry * ry + eps
                dotd = dx * rx + dy * ry
                omq = 1.0 - q
                w = q * omq * omq * omq
                nom = mjc * mu * w * dotd
                rs = rhi + rhj
                den = rs * rs * rij2
                s_ = -(nom / den)
                cx = s_ * (uix - ujx)
                cy = s_ * (uiy - ujy)
                iv = i_v[pl.ds(b, _L)]
                iv2 = iv + iv
                plsc.addupdate_scatter(acc, [iv2], cx)
                plsc.addupdate_scatter(acc, [iv2 + 1], cy)

        drain_lin(0, 0)
        issue_gather(0)

        def body(kk, carry):
            for par in (0, 1):
                ci = 2 * kk + par

                @pl.when(ci < n_chunks)
                def _chunk():
                    drain_gather(par)

                    @pl.when(ci + 1 < n_chunks)
                    def _next():
                        drain_lin(ci + 1, 1 - par)
                        issue_gather(1 - par)

                    compute(par)

                    @pl.when(ci + 2 < n_chunks)
                    def _next2():
                        issue_lin(ci + 2, par)
            return carry

        lax.fori_loop(0, (n_chunks + 1) // 2, body, 0)
        pltpu.sync_copy(acc, out_hbm.at[pl.ds(wid * n2, n2)])

    return k


def kernel(i, j, ri, rj, Vi, Vj, distances, radialDistances, support,
           numParticles, eps, rhoi, rhoj, ui, uj, alpha, c0, restDensity):
    E = i.shape[0]
    N = ri.shape[0]
    sup = jnp.asarray(support, jnp.float32)
    cdw = jnp.float32(-20.0 * 7.0 / math.pi) / (sup * sup * sup)
    mu = jnp.asarray(alpha, jnp.float32) * (rhoi + rhoj)
    mjc = 4.0 * cdw * rhoj * Vj
    pad = jnp.zeros((N, 2), jnp.float32)
    ta = jnp.concatenate(
        [rj, ui, mu[:, None], rhoi[:, None], pad], axis=1)
    tb = jnp.concatenate(
        [ri, uj, mjc[:, None], rhoj[:, None], pad], axis=1)
    eps_b = jnp.full((_L,), jnp.asarray(eps, jnp.float32))
    parts = _make_sc_kernel(E, N)(
        ta, tb, i.astype(jnp.int32), j.astype(jnp.int32),
        distances[:, 0], distances[:, 1],
        radialDistances.astype(jnp.float32), eps_b)
    return parts.reshape(32, 2 * N).sum(axis=0).reshape(N, 2)

# --- scband reference (transcript-rebuilt; emitter-appended) ---
"""Pipeline reference for scband-laminar-viscosity-module-47021301957205 (READ-ONLY COPY).

The authoritative reference and input builder live on the scoring server;
editing this copy changes nothing except your own understanding.
"""

import jax, jax.numpy as jnp
import numpy as np

N = 50000
E = 1600000


def kernel_gradient(radialDistances, directions, h):
    # Wendland C2 kernel in 2D: W(q) = (7/pi) / h^2 * (1-q)^4 (1+4q), q in [0,1]
    # dW/dq = (7/pi)/h^2 * (-20 q (1-q)^3); spatial gradient = dir * dW/dq / h
    C = 7.0 / np.pi
    q = radialDistances
    dWdq = -20.0 * q * (1.0 - q) ** 3 * (C / (h ** 3))
    return directions * dWdq[:, None]


def setup_inputs(seed: int = 0) -> dict:
    key = jax.random.key(seed)
    ks = jax.random.split(key, 12)
    i = jax.random.randint(ks[0], (E,), 0, N)
    j = jax.random.randint(ks[1], (E,), 0, N)
    ri = jax.random.uniform(ks[2], (N, 2), dtype=jnp.float32)
    rj = jax.random.uniform(ks[3], (N, 2), dtype=jnp.float32)
    Vi = jax.random.uniform(ks[4], (N,), dtype=jnp.float32)
    Vj = jax.random.uniform(ks[5], (N,), dtype=jnp.float32)
    dvec = jax.random.normal(ks[6], (E, 2), dtype=jnp.float32)
    distances = dvec / (jnp.linalg.norm(dvec, axis=1, keepdims=True) + 1e-8)
    radialDistances = jax.random.uniform(ks[7], (E,), dtype=jnp.float32)
    rhoi = jax.random.uniform(ks[8], (N,), dtype=jnp.float32, minval=0.5, maxval=1.5)
    rhoj = jax.random.uniform(ks[9], (N,), dtype=jnp.float32, minval=0.5, maxval=1.5)
    ui = jax.random.normal(ks[10], (N, 2), dtype=jnp.float32)
    uj = jax.random.normal(ks[11], (N, 2), dtype=jnp.float32)
    support = 1.0
    return {
        'i': i, 'j': j, 'ri': ri, 'rj': rj, 'Vi': Vi, 'Vj': Vj,
        'distances': distances, 'radialDistances': radialDistances,
        'support': support, 'numParticles': N, 'eps': support ** 2 * 0.1,
        'rhoi': rhoi, 'rhoj': rhoj, 'ui': ui, 'uj': uj,
        'alpha': 1.0, 'c0': 1.0, 'restDensity': 1.0,
    }


def reference(i, j, ri, rj, Vi, Vj, distances, radialDistances, support, numParticles, eps, rhoi, rhoj, ui, uj, alpha, c0, restDensity):
    gradW = kernel_gradient(radialDistances, distances, support)
    uij = ui[i] - uj[j]
    rij = ri[j] - rj[i]
    rij2 = jnp.sum(rij * rij, axis=1) + eps
    mui = rhoi[i] * alpha
    muj = rhoj[i] * alpha
    mj = rhoj[j] * Vj[j]
    nominator = 4.0 * mj * (mui + muj) * jnp.einsum('nu,nu->n', rij, gradW)
    denominator = (rhoi[i] + rhoj[j]) ** 2 * rij2
    term = nominator / denominator
    out = -jax.ops.segment_sum(term[:, None] * uij, i, num_segments=ri.shape[0])
    return out + (jnp.asarray(numParticles) * 0).astype(out.dtype)

if __name__ == "__main__":
    import jax
    _d = setup_inputs()
    print(jax.jit(kernel)(*tuple(_d.values())))

</pallas_src>

<mosaic_0001>
#map = affine_map<(d0, d1) -> (0, 0)>
#map1 = affine_map<(d0, d1) -> (0)>
module attributes {stable_mosaic.version = 14 : i64} {
  func.func @k(%arg0: i32, %arg1: i32, %arg2: memref<50000x8xf32, #tpu.memory_space<hbm>>, %arg3: memref<50000x8xf32, #tpu.memory_space<hbm>>, %arg4: memref<1600000xi32, #tpu.memory_space<hbm>>, %arg5: memref<1600000xi32, #tpu.memory_space<hbm>>, %arg6: memref<1600000xf32, #tpu.memory_space<hbm>>, %arg7: memref<1600000xf32, #tpu.memory_space<hbm>>, %arg8: memref<1600000xf32, #tpu.memory_space<hbm>>, %arg9: memref<16xf32, #tpu.memory_space<hbm>>, %arg10: memref<3200000xf32, #tpu.memory_space<hbm>>, %arg11: memref<400xi32, #tpu.memory_space<vmem>>, %arg12: memref<400xi32, #tpu.memory_space<vmem>>, %arg13: memref<400xf32, #tpu.memory_space<vmem>>, %arg14: memref<400xf32, #tpu.memory_space<vmem>>, %arg15: memref<400xf32, #tpu.memory_space<vmem>>, %arg16: memref<400xi32, #tpu.memory_space<vmem>>, %arg17: memref<400xi32, #tpu.memory_space<vmem>>, %arg18: memref<400xf32, #tpu.memory_space<vmem>>, %arg19: memref<400xf32, #tpu.memory_space<vmem>>, %arg20: memref<400xf32, #tpu.memory_space<vmem>>, %arg21: memref<400x8xf32, #tpu.memory_space<vmem>>, %arg22: memref<400x8xf32, #tpu.memory_space<vmem>>, %arg23: memref<400x8xf32, #tpu.memory_space<vmem>>, %arg24: memref<400x8xf32, #tpu.memory_space<vmem>>, %arg25: memref<16xf32, #tpu.memory_space<vmem>>, %arg26: memref<100000xf32, #tpu.memory_space<vmem>>, %arg27: memref<!tpu.dma_semaphore, #tpu.memory_space<semaphore_mem>>, %arg28: memref<!tpu.dma_semaphore, #tpu.memory_space<semaphore_mem>>, %arg29: memref<!tpu.dma_semaphore, #tpu.memory_space<semaphore_mem>>, %arg30: memref<!tpu.dma_semaphore, #tpu.memory_space<semaphore_mem>>) attributes {dimension_semantics = [#tpu.dimension_semantics<core_parallel>, #tpu.dimension_semantics<subcore_parallel>], iteration_bounds = array<i64: 2, 16>, scalar_prefetch = 0 : i64, scratch_operands = 20 : i64, tpu.core_type = #tpu.core_type<sc_vector_subcore>, window_params = [{transform_indices = #map}, {transform_indices = #map}, {transform_indices = #map1}, {transform_indices = #map1}, {transform_indices = #map1}, {transform_indices = #map1}, {transform_indices = #map1}, {transform_indices = #map1}, {transform_indices = #map1}]} {
    %mul3A = arith.constant 2 : i32
    %mul3A_0 = arith.muli %arg1, %mul3A : i32
    %add3A = arith.addi %mul3A_0, %arg0 : i32
    %mul3A_1 = arith.constant 50000 : i32
    %mul3A_2 = arith.muli %add3A, %mul3A_1 : i32
    %add3A_3 = arith.constant 0 : i32
    %add3A_4 = arith.addi %mul3A_2, %add3A_3 : i32
    %dma_start3A = tpu.memref_slice %arg4[%add3A_4] : memref<1600000xi32, #tpu.memory_space<hbm>> -> memref<400xi32, #tpu.memory_space<hbm>>
    %dma_start3A_5 = tpu.memref_slice %arg4[%add3A_4] : memref<1600000xi32, #tpu.memory_space<hbm>> -> memref<400xi32, #tpu.memory_space<hbm>>
    tpu.enqueue_dma source(%dma_start3A_5 : memref<400xi32, #tpu.memory_space<hbm>>) target(%arg11 : memref<400xi32, #tpu.memory_space<vmem>>) target_semaphore(%arg27 : memref<!tpu.dma_semaphore, #tpu.memory_space<semaphore_mem>>)
    %dma_start3A_6 = tpu.memref_slice %arg5[%add3A_4] : memref<1600000xi32, #tpu.memory_space<hbm>> -> memref<400xi32, #tpu.memory_space<hbm>>
    %dma_start3A_7 = tpu.memref_slice %arg5[%add3A_4] : memref<1600000xi32, #tpu.memory_space<hbm>> -> memref<400xi32, #tpu.memory_space<hbm>>
    tpu.enqueue_dma source(%dma_start3A_7 : memref<400xi32, #tpu.memory_space<hbm>>) target(%arg12 : memref<400xi32, #tpu.memory_space<vmem>>) target_semaphore(%arg27 : memref<!tpu.dma_semaphore, #tpu.memory_space<semaphore_mem>>)
    %dma_start3A_8 = tpu.memref_slice %arg6[%add3A_4] : memref<1600000xf32, #tpu.memory_space<hbm>> -> memref<400xf32, #tpu.memory_space<hbm>>
    %dma_start3A_9 = tpu.memref_slice %arg6[%add3A_4] : memref<1600000xf32, #tpu.memory_space<hbm>> -> memref<400xf32, #tpu.memory_space<hbm>>
    tpu.enqueue_dma source(%dma_start3A_9 : memref<400xf32, #tpu.memory_space<hbm>>) target(%arg13 : memref<400xf32, #tpu.memory_space<vmem>>) target_semaphore(%arg27 : memref<!tpu.dma_semaphore, #tpu.memory_space<semaphore_mem>>)
    %dma_start3A_10 = tpu.memref_slice %arg7[%add3A_4] : memref<1600000xf32, #tpu.memory_space<hbm>> -> memref<400xf32, #tpu.memory_space<hbm>>
    %dma_start3A_11 = tpu.memref_slice %arg7[%add3A_4] : memref<1600000xf32, #tpu.memory_space<hbm>> -> memref<400xf32, #tpu.memory_space<hbm>>
    tpu.enqueue_dma source(%dma_start3A_11 : memref<400xf32, #tpu.memory_space<hbm>>) target(%arg14 : memref<400xf32, #tpu.memory_space<vmem>>) target_semaphore(%arg27 : memref<!tpu.dma_semaphore, #tpu.memory_space<semaphore_mem>>)
    %dma_start3A_12 = tpu.memref_slice %arg8[%add3A_4] : memref<1600000xf32, #tpu.memory_space<hbm>> -> memref<400xf32, #tpu.memory_space<hbm>>
    %dma_start3A_13 = tpu.memref_slice %arg8[%add3A_4] : memref<1600000xf32, #tpu.memory_space<hbm>> -> memref<400xf32, #tpu.memory_space<hbm>>
    tpu.enqueue_dma source(%dma_start3A_13 : memref<400xf32, #tpu.memory_space<hbm>>) target(%arg15 : memref<400xf32, #tpu.memory_space<vmem>>) target_semaphore(%arg27 : memref<!tpu.dma_semaphore, #tpu.memory_space<semaphore_mem>>)
    %mul3A_14 = arith.constant 50000 : i32
    %mul3A_15 = arith.muli %add3A, %mul3A_14 : i32
    %add3A_16 = arith.constant 400 : i32
    %add3A_17 = arith.addi %mul3A_15, %add3A_16 : i32
    %dma_start3A_18 = tpu.memref_slice %arg4[%add3A_17] : memref<1600000xi32, #tpu.memory_space<hbm>> -> memref<400xi32, #tpu.memory_space<hbm>>
    %dma_start3A_19 = tpu.memref_slice %arg4[%add3A_17] : memref<1600000xi32, #tpu.memory_space<hbm>> -> memref<400xi32, #tpu.memory_space<hbm>>
    tpu.enqueue_dma source(%dma_start3A_19 : memref<400xi32, #tpu.memory_space<hbm>>) target(%arg16 : memref<400xi32, #tpu.memory_space<vmem>>) target_semaphore(%arg28 : memref<!tpu.dma_semaphore, #tpu.memory_space<semaphore_mem>>)
    %dma_start3A_20 = tpu.memref_slice %arg5[%add3A_17] : memref<1600000xi32, #tpu.memory_space<hbm>> -> memref<400xi32, #tpu.memory_space<hbm>>
    %dma_start3A_21 = tpu.memref_slice %arg5[%add3A_17] : memref<1600000xi32, #tpu.memory_space<hbm>> -> memref<400xi32, #tpu.memory_space<hbm>>
    tpu.enqueue_dma source(%dma_start3A_21 : memref<400xi32, #tpu.memory_space<hbm>>) target(%arg17 : memref<400xi32, #tpu.memory_space<vmem>>) target_semaphore(%arg28 : memref<!tpu.dma_semaphore, #tpu.memory_space<semaphore_mem>>)
    %dma_start3A_22 = tpu.memref_slice %arg6[%add3A_17] : memref<1600000xf32, #tpu.memory_space<hbm>> -> memref<400xf32, #tpu.memory_space<hbm>>
    %dma_start3A_23 = tpu.memref_slice %arg6[%add3A_17] : memref<1600000xf32, #tpu.memory_space<hbm>> -> memref<400xf32, #tpu.memory_space<hbm>>
    tpu.enqueue_dma source(%dma_start3A_23 : memref<400xf32, #tpu.memory_space<hbm>>) target(%arg18 : memref<400xf32, #tpu.memory_space<vmem>>) target_semaphore(%arg28 : memref<!tpu.dma_semaphore, #tpu.memory_space<semaphore_mem>>)
    %dma_start3A_24 = tpu.memref_slice %arg7[%add3A_17] : memref<1600000xf32, #tpu.memory_space<hbm>> -> memref<400xf32, #tpu.memory_space<hbm>>
    %dma_start3A_25 = tpu.memref_slice %arg7[%add3A_17] : memref<1600000xf32, #tpu.memory_space<hbm>> -> memref<400xf32, #tpu.memory_space<hbm>>
    tpu.enqueue_dma source(%dma_start3A_25 : memref<400xf32, #tpu.memory_space<hbm>>) target(%arg19 : memref<400xf32, #tpu.memory_space<vmem>>) target_semaphore(%arg28 : memref<!tpu.dma_semaphore, #tpu.memory_space<semaphore_mem>>)
    %dma_start3A_26 = tpu.memref_slice %arg8[%add3A_17] : memref<1600000xf32, #tpu.memory_space<hbm>> -> memref<400xf32, #tpu.memory_space<hbm>>
    %dma_start3A_27 = tpu.memref_slice %arg8[%add3A_17] : memref<1600000xf32, #tpu.memory_space<hbm>> -> memref<400xf32, #tpu.memory_space<hbm>>
    tpu.enqueue_dma source(%dma_start3A_27 : memref<400xf32, #tpu.memory_space<hbm>>) target(%arg20 : memref<400xf32, #tpu.memory_space<vmem>>) target_semaphore(%arg28 : memref<!tpu.dma_semaphore, #tpu.memory_space<semaphore_mem>>)
    %parallel_loop3A = arith.constant 0 : i32
    %parallel_loop3A_28 = arith.constant 6250 : i32
    %parallel_loop3A_29 = arith.constant 1 : i32
    scf.for %parallel_loop3A_72 = %parallel_loop3A to %parallel_loop3A_28 step %parallel_loop3A_29  : i32 {
      %parallel_loop3A_73 = arith.constant 0.000000e+00 : f32
      %parallel_loop3A_74 = vector.broadcast %parallel_loop3A_73 : f32 to vector<16xf32>
      %parallel_loop3A_75 = arith.constant 16 : i32
      %parallel_loop3A_76 = arith.muli %parallel_loop3A_72, %parallel_loop3A_75 : i32
      %parallel_loop3A_77 = arith.index_cast %parallel_loop3A_76 : i32 to index
      %parallel_loop3A_78 = tpu.vector_load %arg26[%parallel_loop3A_77] {strides = array<i32>} : memref<100000xf32, #tpu.memory_space<vmem>>, vector<16xf32>,
      tpu.vector_store %arg26[%parallel_loop3A_77], %parallel_loop3A_74 {strides = array<i32>} : memref<100000xf32, #tpu.memory_space<vmem>>, vector<16xf32>,
    } {sc.loop_unroll_factor = 8 : i64, sc.parallel_access}
    "tpu.region"() ({
      %run_scoped3A = tpu.sem_alloc : memref<!tpu.dma_semaphore, #tpu.memory_space<semaphore_mem>>
      tpu.enqueue_dma source(%arg9 : memref<16xf32, #tpu.memory_space<hbm>>) target(%arg25 : memref<16xf32, #tpu.memory_space<vmem>>) target_semaphore(%run_scoped3A : memref<!tpu.dma_semaphore, #tpu.memory_space<semaphore_mem>>)
      tpu.wait_dma2 semaphore(%run_scoped3A : memref<!tpu.dma_semaphore, #tpu.memory_space<semaphore_mem>>) src(%arg9 : memref<16xf32, #tpu.memory_space<hbm>>) dst(%arg25 : memref<16xf32, #tpu.memory_space<vmem>>)
      tpu.yield
    }) : () -> ()
    %get3A = arith.constant 0 : index
    %get3A_30 = tpu.vector_load %arg25[%get3A] {strides = array<i32>} : memref<16xf32, #tpu.memory_space<vmem>>, vector<16xf32>,
    %iota3A = tpu.iota {dimensions = array<i32: 0>} : vector<16xi32>
    %broadcast_in_dim3A = arith.constant 0 : i32
    %broadcast_in_dim3A_31 = vector.broadcast %broadcast_in_dim3A : i32 to vector<16xi32>
    %broadcast_in_dim3A_32 = arith.constant 1 : i32
    %broadcast_in_dim3A_33 = vector.broadcast %broadcast_in_dim3A_32 : i32 to vector<16xi32>
    %broadcast_in_dim3A_34 = arith.constant 2 : i32
    %broadcast_in_dim3A_35 = vector.broadcast %broadcast_in_dim3A_34 : i32 to vector<16xi32>
    %broadcast_in_dim3A_36 = arith.constant 3 : i32
    %broadcast_in_dim3A_37 = vector.broadcast %broadcast_in_dim3A_36 : i32 to vector<16xi32>
    %broadcast_in_dim3A_38 = arith.constant 4 : i32
    %broadcast_in_dim3A_39 = vector.broadcast %broadcast_in_dim3A_38 : i32 to vector<16xi32>
    %broadcast_in_dim3A_40 = arith.constant 5 : i32
    %broadcast_in_dim3A_41 = vector.broadcast %broadcast_in_dim3A_40 : i32 to vector<16xi32>
    %broadcast_in_dim3A_42 = arith.constant 6 : i32
    %broadcast_in_dim3A_43 = vector.broadcast %broadcast_in_dim3A_42 : i32 to vector<16xi32>
    %broadcast_in_dim3A_44 = arith.constant 7 : i32
    %broadcast_in_dim3A_45 = vector.broadcast %broadcast_in_dim3A_44 : i32 to vector<16xi32>
    %mul3A_46 = arith.constant 50000 : i32
    %mul3A_47 = arith.muli %add3A, %mul3A_46 : i32
    %add3A_48 = arith.constant 0 : i32
    %add3A_49 = arith.addi %mul3A_47, %add3A_48 : i32
    %dma_wait3A = tpu.memref_slice %arg4[%add3A_49] : memref<1600000xi32, #tpu.memory_space<hbm>> -> memref<400xi32, #tpu.memory_space<hbm>>
    %dma_wait3A_50 = tpu.memref_slice %arg4[%add3A_49] : memref<1600000xi32, #tpu.memory_space<hbm>> -> memref<400xi32, #tpu.memory_space<hbm>>
    tpu.wait_dma2 semaphore(%arg27 : memref<!tpu.dma_semaphore, #tpu.memory_space<semaphore_mem>>) src(%dma_wait3A_50 : memref<400xi32, #tpu.memory_space<hbm>>) dst(%arg11 : memref<400xi32, #tpu.memory_space<vmem>>)
    %dma_wait3A_51 = tpu.memref_slice %arg5[%add3A_49] : memref<1600000xi32, #tpu.memory_space<hbm>> -> memref<400xi32, #tpu.memory_space<hbm>>
    %dma_wait3A_52 = tpu.memref_slice %arg5[%add3A_49] : memref<1600000xi32, #tpu.memory_space<hbm>> -> memref<400xi32, #tpu.memory_space<hbm>>
    tpu.wait_dma2 semaphore(%arg27 : memref<!tpu.dma_semaphore, #tpu.memory_space<semaphore_mem>>) src(%dma_wait3A_52 : memref<400xi32, #tpu.memory_space<hbm>>) dst(%arg12 : memref<400xi32, #tpu.memory_space<vmem>>)
    %dma_wait3A_53 = tpu.memref_slice %arg6[%add3A_49] : memref<1600000xf32, #tpu.memory_space<hbm>> -> memref<400xf32, #tpu.memory_space<hbm>>
    %dma_wait3A_54 = tpu.memref_slice %arg6[%add3A_49] : memref<1600000xf32, #tpu.memory_space<hbm>> -> memref<400xf32, #tpu.memory_space<hbm>>
    tpu.wait_dma2 semaphore(%arg27 : memref<!tpu.dma_semaphore, #tpu.memory_space<semaphore_mem>>) src(%dma_wait3A_54 : memref<400xf32, #tpu.memory_space<hbm>>) dst(%arg13 : memref<400xf32, #tpu.memory_space<vmem>>)
    %dma_wait3A_55 = tpu.memref_slice %arg7[%add3A_49] : memref<1600000xf32, #tpu.memory_space<hbm>> -> memref<400xf32, #tpu.memory_space<hbm>>
    %dma_wait3A_56 = tpu.memref_slice %arg7[%add3A_49] : memref<1600000xf32, #tpu.memory_space<hbm>> -> memref<400xf32, #tpu.memory_space<hbm>>
    tpu.wait_dma2 semaphore(%arg27 : memref<!tpu.dma_semaphore, #tpu.memory_space<semaphore_mem>>) src(%dma_wait3A_56 : memref<400xf32, #tpu.memory_space<hbm>>) dst(%arg14 : memref<400xf32, #tpu.memory_space<vmem>>)
    %dma_wait3A_57 = tpu.memref_slice %arg8[%add3A_49] : memref<1600000xf32, #tpu.memory_space<hbm>> -> memref<400xf32, #tpu.memory_space<hbm>>
    %dma_wait3A_58 = tpu.memref_slice %arg8[%add3A_49] : memref<1600000xf32, #tpu.memory_space<hbm>> -> memref<400xf32, #tpu.memory_space<hbm>>
    tpu.wait_dma2 semaphore(%arg27 : memref<!tpu.dma_semaphore, #tpu.memory_space<semaphore_mem>>) src(%dma_wait3A_58 : memref<400xf32, #tpu.memory_space<hbm>>) dst(%arg15 : memref<400xf32, #tpu.memory_space<vmem>>)
    %dma_start3A_59 = arith.constant 0 : i32
    %dma_start3A_60 = arith.constant 0 : i32
    %dma_start3A_61 = tpu.memref_slice %arg2[%dma_start3A_59, %dma_start3A_60] : memref<50000x8xf32, #tpu.memory_space<hbm>> -> memref<50000x8xf32, #tpu.memory_space<hbm>>
    tpu.enqueue_indirect_dma source(%dma_start3A_61 : memref<50000x8xf32, #tpu.memory_space<hbm>>) target(%arg21 : memref<400x8xf32, #tpu.memory_space<vmem>>) offsets(%arg11 : memref<400xi32, #tpu.memory_space<vmem>>) semaphore(%arg29 : memref<!tpu.dma_semaphore, #tpu.memory_space<semaphore_mem>>)
    %dma_start3A_62 = arith.constant 0 : i32
    %dma_start3A_63 = arith.constant 0 : i32
    %dma_start3A_64 = tpu.memref_slice %arg3[%dma_start3A_62, %dma_start3A_63] : memref<50000x8xf32, #tpu.memory_space<hbm>> -> memref<50000x8xf32, #tpu.memory_space<hbm>>
    tpu.enqueue_indirect_dma source(%dma_start3A_64 : memref<50000x8xf32, #tpu.memory_space<hbm>>) target(%arg22 : memref<400x8xf32, #tpu.memory_space<vmem>>) offsets(%arg12 : memref<400xi32, #tpu.memory_space<vmem>>) semaphore(%arg29 : memref<!tpu.dma_semaphore, #tpu.memory_space<semaphore_mem>>)
    %scan3A = arith.constant 0 : i32
    %scan3A_65 = arith.constant 0 : i32
    %scan3A_66 = arith.constant 63 : i32
    %scan3A_67 = arith.addi %scan3A_65, %scan3A_66 : i32
    %scan3A_68 = arith.constant 1 : i32
    scf.for %scan3A_72 = %scan3A_65 to %scan3A_67 step %scan3A_68  : i32 {
      %mul3A_73 = arith.constant 2 : i32
      %mul3A_74 = arith.muli %mul3A_73, %scan3A_72 : i32
      %add3A_75 = arith.constant 0 : i32
      %add3A_76 = arith.addi %mul3A_74, %add3A_75 : i32
      %lt3A = arith.constant 125 : i32
      %lt3A_77 = arith.cmpi slt, %add3A_76, %lt3A : i32
      %convert_element_type3A = arith.extui %lt3A_77 : i1 to i32
      %cond3A = arith.constant 0 : i32
      %cond3A_78 = arith.cmpi ne, %convert_element_type3A, %cond3A : i32
      scf.if %cond3A_78 {
        %dma_wait3A_88 = arith.constant 0 : i32
        %dma_wait3A_89 = arith.constant 0 : i32
        %dma_wait3A_90 = tpu.memref_slice %arg2[%dma_wait3A_88, %dma_wait3A_89] : memref<50000x8xf32, #tpu.memory_space<hbm>> -> memref<50000x8xf32, #tpu.memory_space<hbm>>
        tpu.wait_indirect_dma semaphore(%arg29 : memref<!tpu.dma_semaphore, #tpu.memory_space<semaphore_mem>>) src(%dma_wait3A_90 : memref<50000x8xf32, #tpu.memory_space<hbm>>) dst(%arg21 : memref<400x8xf32, #tpu.memory_space<vmem>>)
        %dma_wait3A_91 = arith.constant 0 : i32
        %dma_wait3A_92 = arith.constant 0 : i32
        %dma_wait3A_93 = tpu.memref_slice %arg3[%dma_wait3A_91, %dma_wait3A_92] : memref<50000x8xf32, #tpu.memory_space<hbm>> -> memref<50000x8xf32, #tpu.memory_space<hbm>>
        tpu.wait_indirect_dma semaphore(%arg29 : memref<!tpu.dma_semaphore, #tpu.memory_space<semaphore_mem>>) src(%dma_wait3A_93 : memref<50000x8xf32, #tpu.memory_space<hbm>>) dst(%arg22 : memref<400x8xf32, #tpu.memory_space<vmem>>)
        %add3A_94 = arith.constant 1 : i32
        %add3A_95 = arith.addi %add3A_76, %add3A_94 : i32
        %lt3A_96 = arith.constant 125 : i32
        %lt3A_97 = arith.cmpi slt, %add3A_95, %lt3A_96 : i32
        %convert_element_type3A_98 = arith.extui %lt3A_97 : i1 to i32
        %cond3A_99 = arith.constant 0 : i32
        %cond3A_100 = arith.cmpi ne, %convert_element_type3A_98, %cond3A_99 : i32
        scf.if %cond3A_100 {
          %add3A_111 = arith.constant 1 : i32
          %add3A_112 = arith.addi %add3A_76, %add3A_111 : i32
          %mul3A_113 = arith.constant 50000 : i32
          %mul3A_114 = arith.muli %add3A, %mul3A_113 : i32
          %mul3A_115 = arith.constant 400 : i32
          %mul3A_116 = arith.muli %add3A_112, %mul3A_115 : i32
          %add3A_117 = arith.addi %mul3A_114, %mul3A_116 : i32
          %dma_wait3A_118 = tpu.memref_slice %arg4[%add3A_117] : memref<1600000xi32, #tpu.memory_space<hbm>> -> memref<400xi32, #tpu.memory_space<hbm>>
          %dma_wait3A_119 = tpu.memref_slice %arg4[%add3A_117] : memref<1600000xi32, #tpu.memory_space<hbm>> -> memref<400xi32, #tpu.memory_space<hbm>>
          tpu.wait_dma2 semaphore(%arg28 : memref<!tpu.dma_semaphore, #tpu.memory_space<semaphore_mem>>) src(%dma_wait3A_119 : memref<400xi32, #tpu.memory_space<hbm>>) dst(%arg16 : memref<400xi32, #tpu.memory_space<vmem>>)
          %dma_wait3A_120 = tpu.memref_slice %arg5[%add3A_117] : memref<1600000xi32, #tpu.memory_space<hbm>> -> memref<400xi32, #tpu.memory_space<hbm>>
          %dma_wait3A_121 = tpu.memref_slice %arg5[%add3A_117] : memref<1600000xi32, #tpu.memory_space<hbm>> -> memref<400xi32, #tpu.memory_space<hbm>>
          tpu.wait_dma2 semaphore(%arg28 : memref<!tpu.dma_semaphore, #tpu.memory_space<semaphore_mem>>) src(%dma_wait3A_121 : memref<400xi32, #tpu.memory_space<hbm>>) dst(%arg17 : memref<400xi32, #tpu.memory_space<vmem>>)
          %dma_wait3A_122 = tpu.memref_slice %arg6[%add3A_117] : memref<1600000xf32, #tpu.memory_space<hbm>> -> memref<400xf32, #tpu.memory_space<hbm>>
          %dma_wait3A_123 = tpu.memref_slice %arg6[%add3A_117] : memref<1600000xf32, #tpu.memory_space<hbm>> -> memref<400xf32, #tpu.memory_space<hbm>>
          tpu.wait_dma2 semaphore(%arg28 : memref<!tpu.dma_semaphore, #tpu.memory_space<semaphore_mem>>) src(%dma_wait3A_123 : memref<400xf32, #tpu.memory_space<hbm>>) dst(%arg18 : memref<400xf32, #tpu.memory_space<vmem>>)
          %dma_wait3A_124 = tpu.memref_slice %arg7[%add3A_117] : memref<1600000xf32, #tpu.memory_space<hbm>> -> memref<400xf32, #tpu.memory_space<hbm>>
          %dma_wait3A_125 = tpu.memref_slice %arg7[%add3A_117] : memref<1600000xf32, #tpu.memory_space<hbm>> -> memref<400xf32, #tpu.memory_space<hbm>>
          tpu.wait_dma2 semaphore(%arg28 : memref<!tpu.dma_semaphore, #tpu.memory_space<semaphore_mem>>) src(%dma_wait3A_125 : memref<400xf32, #tpu.memory_space<hbm>>) dst(%arg19 : memref<400xf32, #tpu.memory_space<vmem>>)
          %dma_wait3A_126 = tpu.memref_slice %arg8[%add3A_117] : memref<1600000xf32, #tpu.memory_space<hbm>> -> memref<400xf32, #tpu.memory_space<hbm>>
          %dma_wait3A_127 = tpu.memref_slice %arg8[%add3A_117] : memref<1600000xf32, #tpu.memory_space<hbm>> -> memref<400xf32, #tpu.memory_space<hbm>>
          tpu.wait_dma2 semaphore(%arg28 : memref<!tpu.dma_semaphore, #tpu.memory_space<semaphore_mem>>) src(%dma_wait3A_127 : memref<400xf32, #tpu.memory_space<hbm>>) dst(%arg20 : memref<400xf32, #tpu.memory_space<vmem>>)
          %dma_start3A_128 = arith.constant 0 : i32
          %dma_start3A_129 = arith.constant 0 : i32
          %dma_start3A_130 = tpu.memref_slice %arg2[%dma_start3A_128, %dma_start3A_129] : memref<50000x8xf32, #tpu.memory_space<hbm>> -> memref<50000x8xf32, #tpu.memory_space<hbm>>
          tpu.enqueue_indirect_dma source(%dma_start3A_130 : memref<50000x8xf32, #tpu.memory_space<hbm>>) target(%arg23 : memref<400x8xf32, #tpu.memory_space<vmem>>) offsets(%arg16 : memref<400xi32, #tpu.memory_space<vmem>>) semaphore(%arg30 : memref<!tpu.dma_semaphore, #tpu.memory_space<semaphore_mem>>)
          %dma_start3A_131 = arith.constant 0 : i32
          %dma_start3A_132 = arith.constant 0 : i32
          %dma_start3A_133 = tpu.memref_slice %arg3[%dma_start3A_131, %dma_start3A_132] : memref<50000x8xf32, #tpu.memory_space<hbm>> -> memref<50000x8xf32, #tpu.memory_space<hbm>>
          tpu.enqueue_indirect_dma source(%dma_start3A_133 : memref<50000x8xf32, #tpu.memory_space<hbm>>) target(%arg24 : memref<400x8xf32, #tpu.memory_space<vmem>>) offsets(%arg17 : memref<400xi32, #tpu.memory_space<vmem>>) semaphore(%arg30 : memref<!tpu.dma_semaphore, #tpu.memory_space<semaphore_mem>>)
        } else {
        }
        %parallel_loop3A_101 = arith.constant 0 : i32
        %parallel_loop3A_102 = arith.constant 25 : i32
        %parallel_loop3A_103 = arith.constant 1 : i32
        scf.for %parallel_loop3A_111 = %parallel_loop3A_101 to %parallel_loop3A_102 step %parallel_loop3A_103  : i32 {
          %parallel_loop3A_112 = arith.constant 16 : i32
          %parallel_loop3A_113 = arith.muli %parallel_loop3A_111, %parallel_loop3A_112 : i32
          %parallel_loop3A_114 = vector.broadcast %parallel_loop3A_113 : i32 to vector<16xi32>
          %parallel_loop3A_115 = arith.addi %parallel_loop3A_114, %iota3A : vector<16xi32>
          %parallel_loop3A_116 = tpu.vector_load_idx %arg21[%parallel_loop3A_115, %broadcast_in_dim3A_31] : memref<400x8xf32, #tpu.memory_space<vmem>>[vector<16xi32>, vector<16xi32>], vector<16xf32>,
          %parallel_loop3A_117 = tpu.vector_load_idx %arg21[%parallel_loop3A_115, %broadcast_in_dim3A_33] : memref<400x8xf32, #tpu.memory_space<vmem>>[vector<16xi32>, vector<16xi32>], vector<16xf32>,
          %parallel_loop3A_118 = tpu.vector_load_idx %arg21[%parallel_loop3A_115, %broadcast_in_dim3A_35] : memref<400x8xf32, #tpu.memory_space<vmem>>[vector<16xi32>, vector<16xi32>], vector<16xf32>,
          %parallel_loop3A_119 = tpu.vector_load_idx %arg21[%parallel_loop3A_115, %broadcast_in_dim3A_37] : memref<400x8xf32, #tpu.memory_space<vmem>>[vector<16xi32>, vector<16xi32>], vector<16xf32>,
          %parallel_loop3A_120 = tpu.vector_load_idx %arg21[%parallel_loop3A_115, %broadcast_in_dim3A_39] : memref<400x8xf32, #tpu.memory_space<vmem>>[vector<16xi32>, vector<16xi32>], vector<16xf32>,
          %parallel_loop3A_121 = tpu.vector_load_idx %arg21[%parallel_loop3A_115, %broadcast_in_dim3A_41] : memref<400x8xf32, #tpu.memory_space<vmem>>[vector<16xi32>, vector<16xi32>], vector<16xf32>,
          %parallel_loop3A_122 = tpu.vector_load_idx %arg22[%parallel_loop3A_115, %broadcast_in_dim3A_31] : memref<400x8xf32, #tpu.memory_space<vmem>>[vector<16xi32>, vector<16xi32>], vector<16xf32>,
          %parallel_loop3A_123 = tpu.vector_load_idx %arg22[%parallel_loop3A_115, %broadcast_in_dim3A_33] : memref<400x8xf32, #tpu.memory_space<vmem>>[vector<16xi32>, vector<16xi32>], vector<16xf32>,
          %parallel_loop3A_124 = tpu.vector_load_idx %arg22[%parallel_loop3A_115, %broadcast_in_dim3A_35] : memref<400x8xf32, #tpu.memory_space<vmem>>[vector<16xi32>, vector<16xi32>], vector<16xf32>,
          %parallel_loop3A_125 = tpu.vector_load_idx %arg22[%parallel_loop3A_115, %broadcast_in_dim3A_37] : memref<400x8xf32, #tpu.memory_space<vmem>>[vector<16xi32>, vector<16xi32>], vector<16xf32>,
          %parallel_loop3A_126 = tpu.vector_load_idx %arg22[%parallel_loop3A_115, %broadcast_in_dim3A_39] : memref<400x8xf32, #tpu.memory_space<vmem>>[vector<16xi32>, vector<16xi32>], vector<16xf32>,
          %parallel_loop3A_127 = tpu.vector_load_idx %arg22[%parallel_loop3A_115, %broadcast_in_dim3A_41] : memref<400x8xf32, #tpu.memory_space<vmem>>[vector<16xi32>, vector<16xi32>], vector<16xf32>,
          %parallel_loop3A_128 = arith.index_cast %parallel_loop3A_113 : i32 to index
          %parallel_loop3A_129 = tpu.vector_load %arg13[%parallel_loop3A_128] {strides = array<i32>} : memref<400xf32, #tpu.memory_space<vmem>>, vector<16xf32>,
          %parallel_loop3A_130 = arith.index_cast %parallel_loop3A_113 : i32 to index
          %parallel_loop3A_131 = tpu.vector_load %arg14[%parallel_loop3A_130] {strides = array<i32>} : memref<400xf32, #tpu.memory_space<vmem>>, vector<16xf32>,
          %parallel_loop3A_132 = arith.index_cast %parallel_loop3A_113 : i32 to index
          %parallel_loop3A_133 = tpu.vector_load %arg15[%parallel_loop3A_132] {strides = array<i32>} : memref<400xf32, #tpu.memory_space<vmem>>, vector<16xf32>,
          %parallel_loop3A_134 = arith.subf %parallel_loop3A_122, %parallel_loop3A_116 : vector<16xf32>
          %parallel_loop3A_135 = arith.subf %parallel_loop3A_123, %parallel_loop3A_117 : vector<16xf32>
          %parallel_loop3A_136 = arith.mulf %parallel_loop3A_134, %parallel_loop3A_134 : vector<16xf32>
          %parallel_loop3A_137 = arith.mulf %parallel_loop3A_135, %parallel_loop3A_135 : vector<16xf32>
          %parallel_loop3A_138 = arith.addf %parallel_loop3A_136, %parallel_loop3A_137 : vector<16xf32>
          %parallel_loop3A_139 = arith.addf %parallel_loop3A_138, %get3A_30 : vector<16xf32>
          %parallel_loop3A_140 = arith.mulf %parallel_loop3A_129, %parallel_loop3A_134 : vector<16xf32>
          %parallel_loop3A_141 = arith.mulf %parallel_loop3A_131, %parallel_loop3A_135 : vector<16xf32>
          %parallel_loop3A_142 = arith.addf %parallel_loop3A_140, %parallel_loop3A_141 : vector<16xf32>
          %parallel_loop3A_143 = arith.constant 1.000000e+00 : f32
          %parallel_loop3A_144 = vector.broadcast %parallel_loop3A_143 : f32 to vector<16xf32>
          %parallel_loop3A_145 = arith.subf %parallel_loop3A_144, %parallel_loop3A_133 : vector<16xf32>
          %parallel_loop3A_146 = arith.mulf %parallel_loop3A_133, %parallel_loop3A_145 : vector<16xf32>
          %parallel_loop3A_147 = arith.mulf %parallel_loop3A_146, %parallel_loop3A_145 : vector<16xf32>
          %parallel_loop3A_148 = arith.mulf %parallel_loop3A_147, %parallel_loop3A_145 : vector<16xf32>
          %parallel_loop3A_149 = arith.mulf %parallel_loop3A_126, %parallel_loop3A_120 : vector<16xf32>
          %parallel_loop3A_150 = arith.mulf %parallel_loop3A_149, %parallel_loop3A_148 : vector<16xf32>
          %parallel_loop3A_151 = arith.mulf %parallel_loop3A_150, %parallel_loop3A_142 : vector<16xf32>
          %parallel_loop3A_152 = arith.addf %parallel_loop3A_121, %parallel_loop3A_127 : vector<16xf32>
          %parallel_loop3A_153 = arith.mulf %parallel_loop3A_152, %parallel_loop3A_152 : vector<16xf32>
          %parallel_loop3A_154 = arith.mulf %parallel_loop3A_153, %parallel_loop3A_139 : vector<16xf32>
          %parallel_loop3A_155 = arith.divf %parallel_loop3A_151, %parallel_loop3A_154 : vector<16xf32>
          %parallel_loop3A_156 = arith.constant 0.000000e+00 : f32
          %parallel_loop3A_157 = vector.broadcast %parallel_loop3A_156 : f32 to vector<16xf32>
          %parallel_loop3A_158 = arith.subf %parallel_loop3A_157, %parallel_loop3A_155 : vector<16xf32>
          %parallel_loop3A_159 = arith.subf %parallel_loop3A_118, %parallel_loop3A_124 : vector<16xf32>
          %parallel_loop3A_160 = arith.mulf %parallel_loop3A_158, %parallel_loop3A_159 : vector<16xf32>
          %parallel_loop3A_161 = arith.subf %parallel_loop3A_119, %parallel_loop3A_125 : vector<16xf32>
          %parallel_loop3A_162 = arith.mulf %parallel_loop3A_158, %parallel_loop3A_161 : vector<16xf32>
          %parallel_loop3A_163 = arith.index_cast %parallel_loop3A_113 : i32 to index
          %parallel_loop3A_164 = tpu.vector_load %arg11[%parallel_loop3A_163] {strides = array<i32>} : memref<400xi32, #tpu.memory_space<vmem>>, vector<16xi32>,
          %parallel_loop3A_165 = arith.addi %parallel_loop3A_164, %parallel_loop3A_164 : vector<16xi32>
          tpu.vector_store_idx %arg26[%parallel_loop3A_165], %parallel_loop3A_160 {add = true} : memref<100000xf32, #tpu.memory_space<vmem>>[vector<16xi32>], vector<16xf32>,
          %parallel_loop3A_166 = arith.constant 1 : i32
          %parallel_loop3A_167 = vector.broadcast %parallel_loop3A_166 : i32 to vector<16xi32>
          %parallel_loop3A_168 = arith.addi %parallel_loop3A_165, %parallel_loop3A_167 : vector<16xi32>
          tpu.vector_store_idx %arg26[%parallel_loop3A_168], %parallel_loop3A_162 {add = true} : memref<100000xf32, #tpu.memory_space<vmem>>[vector<16xi32>], vector<16xf32>,
        } {sc.loop_unroll_factor = 4 : i64, sc.parallel_access}
        %add3A_104 = arith.constant 2 : i32
        %add3A_105 = arith.addi %add3A_76, %add3A_104 : i32
        %lt3A_106 = arith.constant 125 : i32
        %lt3A_107 = arith.cmpi slt, %add3A_105, %lt3A_106 : i32
        %convert_element_type3A_108 = arith.extui %lt3A_107 : i1 to i32
        %cond3A_109 = arith.constant 0 : i32
        %cond3A_110 = arith.cmpi ne, %convert_element_type3A_108, %cond3A_109 : i32
        scf.if %cond3A_110 {
          %add3A_111 = arith.constant 2 : i32
          %add3A_112 = arith.addi %add3A_76, %add3A_111 : i32
          %mul3A_113 = arith.constant 50000 : i32
          %mul3A_114 = arith.muli %add3A, %mul3A_113 : i32
          %mul3A_115 = arith.constant 400 : i32
          %mul3A_116 = arith.muli %add3A_112, %mul3A_115 : i32
          %add3A_117 = arith.addi %mul3A_114, %mul3A_116 : i32
          %dma_start3A_118 = tpu.memref_slice %arg4[%add3A_117] : memref<1600000xi32, #tpu.memory_space<hbm>> -> memref<400xi32, #tpu.memory_space<hbm>>
          %dma_start3A_119 = tpu.memref_slice %arg4[%add3A_117] : memref<1600000xi32, #tpu.memory_space<hbm>> -> memref<400xi32, #tpu.memory_space<hbm>>
          tpu.enqueue_dma source(%dma_start3A_119 : memref<400xi32, #tpu.memory_space<hbm>>) target(%arg11 : memref<400xi32, #tpu.memory_space<vmem>>) target_semaphore(%arg27 : memref<!tpu.dma_semaphore, #tpu.memory_space<semaphore_mem>>)
          %dma_start3A_120 = tpu.memref_slice %arg5[%add3A_117] : memref<1600000xi32, #tpu.memory_space<hbm>> -> memref<400xi32, #tpu.memory_space<hbm>>
          %dma_start3A_121 = tpu.memref_slice %arg5[%add3A_117] : memref<1600000xi32, #tpu.memory_space<hbm>> -> memref<400xi32, #tpu.memory_space<hbm>>
          tpu.enqueue_dma source(%dma_start3A_121 : memref<400xi32, #tpu.memory_space<hbm>>) target(%arg12 : memref<400xi32, #tpu.memory_space<vmem>>) target_semaphore(%arg27 : memref<!tpu.dma_semaphore, #tpu.memory_space<semaphore_mem>>)
          %dma_start3A_122 = tpu.memref_slice %arg6[%add3A_117] : memref<1600000xf32, #tpu.memory_space<hbm>> -> memref<400xf32, #tpu.memory_space<hbm>>
          %dma_start3A_123 = tpu.memref_slice %arg6[%add3A_117] : memref<1600000xf32, #tpu.memory_space<hbm>> -> memref<400xf32, #tpu.memory_space<hbm>>
          tpu.enqueue_dma source(%dma_start3A_123 : memref<400xf32, #tpu.memory_space<hbm>>) target(%arg13 : memref<400xf32, #tpu.memory_space<vmem>>) target_semaphore(%arg27 : memref<!tpu.dma_semaphore, #tpu.memory_space<semaphore_mem>>)
          %dma_start3A_124 = tpu.memref_slice %arg7[%add3A_117] : memref<1600000xf32, #tpu.memory_space<hbm>> -> memref<400xf32, #tpu.memory_space<hbm>>
          %dma_start3A_125 = tpu.memref_slice %arg7[%add3A_117] : memref<1600000xf32, #tpu.memory_space<hbm>> -> memref<400xf32, #tpu.memory_space<hbm>>
          tpu.enqueue_dma source(%dma_start3A_125 : memref<400xf32, #tpu.memory_space<hbm>>) target(%arg14 : memref<400xf32, #tpu.memory_space<vmem>>) target_semaphore(%arg27 : memref<!tpu.dma_semaphore, #tpu.memory_space<semaphore_mem>>)
          %dma_start3A_126 = tpu.memref_slice %arg8[%add3A_117] : memref<1600000xf32, #tpu.memory_space<hbm>> -> memref<400xf32, #tpu.memory_space<hbm>>
          %dma_start3A_127 = tpu.memref_slice %arg8[%add3A_117] : memref<1600000xf32, #tpu.memory_space<hbm>> -> memref<400xf32, #tpu.memory_space<hbm>>
          tpu.enqueue_dma source(%dma_start3A_127 : memref<400xf32, #tpu.memory_space<hbm>>) target(%arg15 : memref<400xf32, #tpu.memory_space<vmem>>) target_semaphore(%arg27 : memref<!tpu.dma_semaphore, #tpu.memory_space<semaphore_mem>>)
        } else {
        }
      } else {
      }
      %mul3A_79 = arith.constant 2 : i32
      %mul3A_80 = arith.muli %mul3A_79, %scan3A_72 : i32
      %add3A_81 = arith.constant 1 : i32
      %add3A_82 = arith.addi %mul3A_80, %add3A_81 : i32
      %lt3A_83 = arith.constant 125 : i32
      %lt3A_84 = arith.cmpi slt, %add3A_82, %lt3A_83 : i32
      %convert_element_type3A_85 = arith.extui %lt3A_84 : i1 to i32
      %cond3A_86 = arith.constant 0 : i32
      %cond3A_87 = arith.cmpi ne, %convert_element_type3A_85, %cond3A_86 : i32
      scf.if %cond3A_87 {
        %dma_wait3A_88 = arith.constant 0 : i32
        %dma_wait3A_89 = arith.constant 0 : i32
        %dma_wait3A_90 = tpu.memref_slice %arg2[%dma_wait3A_88, %dma_wait3A_89] : memref<50000x8xf32, #tpu.memory_space<hbm>> -> memref<50000x8xf32, #tpu.memory_space<hbm>>
        tpu.wait_indirect_dma semaphore(%arg30 : memref<!tpu.dma_semaphore, #tpu.memory_space<semaphore_mem>>) src(%dma_wait3A_90 : memref<50000x8xf32, #tpu.memory_space<hbm>>) dst(%arg23 : memref<400x8xf32, #tpu.memory_space<vmem>>)
        %dma_wait3A_91 = arith.constant 0 : i32
        %dma_wait3A_92 = arith.constant 0 : i32
        %dma_wait3A_93 = tpu.memref_slice %arg3[%dma_wait3A_91, %dma_wait3A_92] : memref<50000x8xf32, #tpu.memory_space<hbm>> -> memref<50000x8xf32, #tpu.memory_space<hbm>>
        tpu.wait_indirect_dma semaphore(%arg30 : memref<!tpu.dma_semaphore, #tpu.memory_space<semaphore_mem>>) src(%dma_wait3A_93 : memref<50000x8xf32, #tpu.memory_space<hbm>>) dst(%arg24 : memref<400x8xf32, #tpu.memory_space<vmem>>)
        %add3A_94 = arith.constant 1 : i32
        %add3A_95 = arith.addi %add3A_82, %add3A_94 : i32
        %lt3A_96 = arith.constant 125 : i32
        %lt3A_97 = arith.cmpi slt, %add3A_95, %lt3A_96 : i32
        %convert_element_type3A_98 = arith.extui %lt3A_97 : i1 to i32
        %cond3A_99 = arith.constant 0 : i32
        %cond3A_100 = arith.cmpi ne, %convert_element_type3A_98, %cond3A_99 : i32
        scf.if %cond3A_100 {
          %add3A_111 = arith.constant 1 : i32
          %add3A_112 = arith.addi %add3A_82, %add3A_111 : i32
          %mul3A_113 = arith.constant 50000 : i32
          %mul3A_114 = arith.muli %add3A, %mul3A_113 : i32
          %mul3A_115 = arith.constant 400 : i32
          %mul3A_116 = arith.muli %add3A_112, %mul3A_115 : i32
          %add3A_117 = arith.addi %mul3A_114, %mul3A_116 : i32
          %dma_wait3A_118 = tpu.memref_slice %arg4[%add3A_117] : memref<1600000xi32, #tpu.memory_space<hbm>> -> memref<400xi32, #tpu.memory_space<hbm>>
          %dma_wait3A_119 = tpu.memref_slice %arg4[%add3A_117] : memref<1600000xi32, #tpu.memory_space<hbm>> -> memref<400xi32, #tpu.memory_space<hbm>>
          tpu.wait_dma2 semaphore(%arg27 : memref<!tpu.dma_semaphore, #tpu.memory_space<semaphore_mem>>) src(%dma_wait3A_119 : memref<400xi32, #tpu.memory_space<hbm>>) dst(%arg11 : memref<400xi32, #tpu.memory_space<vmem>>)
          %dma_wait3A_120 = tpu.memref_slice %arg5[%add3A_117] : memref<1600000xi32, #tpu.memory_space<hbm>> -> memref<400xi32, #tpu.memory_space<hbm>>
          %dma_wait3A_121 = tpu.memref_slice %arg5[%add3A_117] : memref<1600000xi32, #tpu.memory_space<hbm>> -> memref<400xi32, #tpu.memory_space<hbm>>
          tpu.wait_dma2 semaphore(%arg27 : memref<!tpu.dma_semaphore, #tpu.memory_space<semaphore_mem>>) src(%dma_wait3A_121 : memref<400xi32, #tpu.memory_space<hbm>>) dst(%arg12 : memref<400xi32, #tpu.memory_space<vmem>>)
          %dma_wait3A_122 = tpu.memref_slice %arg6[%add3A_117] : memref<1600000xf32, #tpu.memory_space<hbm>> -> memref<400xf32, #tpu.memory_space<hbm>>
          %dma_wait3A_123 = tpu.memref_slice %arg6[%add3A_117] : memref<1600000xf32, #tpu.memory_space<hbm>> -> memref<400xf32, #tpu.memory_space<hbm>>
          tpu.wait_dma2 semaphore(%arg27 : memref<!tpu.dma_semaphore, #tpu.memory_space<semaphore_mem>>) src(%dma_wait3A_123 : memref<400xf32, #tpu.memory_space<hbm>>) dst(%arg13 : memref<400xf32, #tpu.memory_space<vmem>>)
          %dma_wait3A_124 = tpu.memref_slice %arg7[%add3A_117] : memref<1600000xf32, #tpu.memory_space<hbm>> -> memref<400xf32, #tpu.memory_space<hbm>>
          %dma_wait3A_125 = tpu.memref_slice %arg7[%add3A_117] : memref<1600000xf32, #tpu.memory_space<hbm>> -> memref<400xf32, #tpu.memory_space<hbm>>
          tpu.wait_dma2 semaphore(%arg27 : memref<!tpu.dma_semaphore, #tpu.memory_space<semaphore_mem>>) src(%dma_wait3A_125 : memref<400xf32, #tpu.memory_space<hbm>>) dst(%arg14 : memref<400xf32, #tpu.memory_space<vmem>>)
          %dma_wait3A_126 = tpu.memref_slice %arg8[%add3A_117] : memref<1600000xf32, #tpu.memory_space<hbm>> -> memref<400xf32, #tpu.memory_space<hbm>>
          %dma_wait3A_127 = tpu.memref_slice %arg8[%add3A_117] : memref<1600000xf32, #tpu.memory_space<hbm>> -> memref<400xf32, #tpu.memory_space<hbm>>
          tpu.wait_dma2 semaphore(%arg27 : memref<!tpu.dma_semaphore, #tpu.memory_space<semaphore_mem>>) src(%dma_wait3A_127 : memref<400xf32, #tpu.memory_space<hbm>>) dst(%arg15 : memref<400xf32, #tpu.memory_space<vmem>>)
          %dma_start3A_128 = arith.constant 0 : i32
          %dma_start3A_129 = arith.constant 0 : i32
          %dma_start3A_130 = tpu.memref_slice %arg2[%dma_start3A_128, %dma_start3A_129] : memref<50000x8xf32, #tpu.memory_space<hbm>> -> memref<50000x8xf32, #tpu.memory_space<hbm>>
          tpu.enqueue_indirect_dma source(%dma_start3A_130 : memref<50000x8xf32, #tpu.memory_space<hbm>>) target(%arg21 : memref<400x8xf32, #tpu.memory_space<vmem>>) offsets(%arg11 : memref<400xi32, #tpu.memory_space<vmem>>) semaphore(%arg29 : memref<!tpu.dma_semaphore, #tpu.memory_space<semaphore_mem>>)
          %dma_start3A_131 = arith.constant 0 : i32
          %dma_start3A_132 = arith.constant 0 : i32
          %dma_start3A_133 = tpu.memref_slice %arg3[%dma_start3A_131, %dma_start3A_132] : memref<50000x8xf32, #tpu.memory_space<hbm>> -> memref<50000x8xf32, #tpu.memory_space<hbm>>
          tpu.enqueue_indirect_dma source(%dma_start3A_133 : memref<50000x8xf32, #tpu.memory_space<hbm>>) target(%arg22 : memref<400x8xf32, #tpu.memory_space<vmem>>) offsets(%arg12 : memref<400xi32, #tpu.memory_space<vmem>>) semaphore(%arg29 : memref<!tpu.dma_semaphore, #tpu.memory_space<semaphore_mem>>)
        } else {
        }
        %parallel_loop3A_101 = arith.constant 0 : i32
        %parallel_loop3A_102 = arith.constant 25 : i32
        %parallel_loop3A_103 = arith.constant 1 : i32
        scf.for %parallel_loop3A_111 = %parallel_loop3A_101 to %parallel_loop3A_102 step %parallel_loop3A_103  : i32 {
          %parallel_loop3A_112 = arith.constant 16 : i32
          %parallel_loop3A_113 = arith.muli %parallel_loop3A_111, %parallel_loop3A_112 : i32
          %parallel_loop3A_114 = vector.broadcast %parallel_loop3A_113 : i32 to vector<16xi32>
          %parallel_loop3A_115 = arith.addi %parallel_loop3A_114, %iota3A : vector<16xi32>
          %parallel_loop3A_116 = tpu.vector_load_idx %arg23[%parallel_loop3A_115, %broadcast_in_dim3A_31] : memref<400x8xf32, #tpu.memory_space<vmem>>[vector<16xi32>, vector<16xi32>], vector<16xf32>,
          %parallel_loop3A_117 = tpu.vector_load_idx %arg23[%parallel_loop3A_115, %broadcast_in_dim3A_33] : memref<400x8xf32, #tpu.memory_space<vmem>>[vector<16xi32>, vector<16xi32>], vector<16xf32>,
          %parallel_loop3A_118 = tpu.vector_load_idx %arg23[%parallel_loop3A_115, %broadcast_in_dim3A_35] : memref<400x8xf32, #tpu.memory_space<vmem>>[vector<16xi32>, vector<16xi32>], vector<16xf32>,
          %parallel_loop3A_119 = tpu.vector_load_idx %arg23[%parallel_loop3A_115, %broadcast_in_dim3A_37] : memref<400x8xf32, #tpu.memory_space<vmem>>[vector<16xi32>, vector<16xi32>], vector<16xf32>,
          %parallel_loop3A_120 = tpu.vector_load_idx %arg23[%parallel_loop3A_115, %broadcast_in_dim3A_39] : memref<400x8xf32, #tpu.memory_space<vmem>>[vector<16xi32>, vector<16xi32>], vector<16xf32>,
          %parallel_loop3A_121 = tpu.vector_load_idx %arg23[%parallel_loop3A_115, %broadcast_in_dim3A_41] : memref<400x8xf32, #tpu.memory_space<vmem>>[vector<16xi32>, vector<16xi32>], vector<16xf32>,
          %parallel_loop3A_122 = tpu.vector_load_idx %arg24[%parallel_loop3A_115, %broadcast_in_dim3A_31] : memref<400x8xf32, #tpu.memory_space<vmem>>[vector<16xi32>, vector<16xi32>], vector<16xf32>,
          %parallel_loop3A_123 = tpu.vector_load_idx %arg24[%parallel_loop3A_115, %broadcast_in_dim3A_33] : memref<400x8xf32, #tpu.memory_space<vmem>>[vector<16xi32>, vector<16xi32>], vector<16xf32>,
          %parallel_loop3A_124 = tpu.vector_load_idx %arg24[%parallel_loop3A_115, %broadcast_in_dim3A_35] : memref<400x8xf32, #tpu.memory_space<vmem>>[vector<16xi32>, vector<16xi32>], vector<16xf32>,
          %parallel_loop3A_125 = tpu.vector_load_idx %arg24[%parallel_loop3A_115, %broadcast_in_dim3A_37] : memref<400x8xf32, #tpu.memory_space<vmem>>[vector<16xi32>, vector<16xi32>], vector<16xf32>,
          %parallel_loop3A_126 = tpu.vector_load_idx %arg24[%parallel_loop3A_115, %broadcast_in_dim3A_39] : memref<400x8xf32, #tpu.memory_space<vmem>>[vector<16xi32>, vector<16xi32>], vector<16xf32>,
          %parallel_loop3A_127 = tpu.vector_load_idx %arg24[%parallel_loop3A_115, %broadcast_in_dim3A_41] : memref<400x8xf32, #tpu.memory_space<vmem>>[vector<16xi32>, vector<16xi32>], vector<16xf32>,
          %parallel_loop3A_128 = arith.index_cast %parallel_loop3A_113 : i32 to index
          %parallel_loop3A_129 = tpu.vector_load %arg18[%parallel_loop3A_128] {strides = array<i32>} : memref<400xf32, #tpu.memory_space<vmem>>, vector<16xf32>,
          %parallel_loop3A_130 = arith.index_cast %parallel_loop3A_113 : i32 to index
          %parallel_loop3A_131 = tpu.vector_load %arg19[%parallel_loop3A_130] {strides = array<i32>} : memref<400xf32, #tpu.memory_space<vmem>>, vector<16xf32>,
          %parallel_loop3A_132 = arith.index_cast %parallel_loop3A_113 : i32 to index
          %parallel_loop3A_133 = tpu.vector_load %arg20[%parallel_loop3A_132] {strides = array<i32>} : memref<400xf32, #tpu.memory_space<vmem>>, vector<16xf32>,
          %parallel_loop3A_134 = arith.subf %parallel_loop3A_122, %parallel_loop3A_116 : vector<16xf32>
          %parallel_loop3A_135 = arith.subf %parallel_loop3A_123, %parallel_loop3A_117 : vector<16xf32>
          %parallel_loop3A_136 = arith.mulf %parallel_loop3A_134, %parallel_loop3A_134 : vector<16xf32>
          %parallel_loop3A_137 = arith.mulf %parallel_loop3A_135, %parallel_loop3A_135 : vector<16xf32>
          %parallel_loop3A_138 = arith.addf %parallel_loop3A_136, %parallel_loop3A_137 : vector<16xf32>
          %parallel_loop3A_139 = arith.addf %parallel_loop3A_138, %get3A_30 : vector<16xf32>
          %parallel_loop3A_140 = arith.mulf %parallel_loop3A_129, %parallel_loop3A_134 : vector<16xf32>
          %parallel_loop3A_141 = arith.mulf %parallel_loop3A_131, %parallel_loop3A_135 : vector<16xf32>
          %parallel_loop3A_142 = arith.addf %parallel_loop3A_140, %parallel_loop3A_141 : vector<16xf32>
          %parallel_loop3A_143 = arith.constant 1.000000e+00 : f32
          %parallel_loop3A_144 = vector.broadcast %parallel_loop3A_143 : f32 to vector<16xf32>
          %parallel_loop3A_145 = arith.subf %parallel_loop3A_144, %parallel_loop3A_133 : vector<16xf32>
          %parallel_loop3A_146 = arith.mulf %parallel_loop3A_133, %parallel_loop3A_145 : vector<16xf32>
          %parallel_loop3A_147 = arith.mulf %parallel_loop3A_146, %parallel_loop3A_145 : vector<16xf32>
          %parallel_loop3A_148 = arith.mulf %parallel_loop3A_147, %parallel_loop3A_145 : vector<16xf32>
          %parallel_loop3A_149 = arith.mulf %parallel_loop3A_126, %parallel_loop3A_120 : vector<16xf32>
          %parallel_loop3A_150 = arith.mulf %parallel_loop3A_149, %parallel_loop3A_148 : vector<16xf32>
          %parallel_loop3A_151 = arith.mulf %parallel_loop3A_150, %parallel_loop3A_142 : vector<16xf32>
          %parallel_loop3A_152 = arith.addf %parallel_loop3A_121, %parallel_loop3A_127 : vector<16xf32>
          %parallel_loop3A_153 = arith.mulf %parallel_loop3A_152, %parallel_loop3A_152 : vector<16xf32>
          %parallel_loop3A_154 = arith.mulf %parallel_loop3A_153, %parallel_loop3A_139 : vector<16xf32>
          %parallel_loop3A_155 = arith.divf %parallel_loop3A_151, %parallel_loop3A_154 : vector<16xf32>
          %parallel_loop3A_156 = arith.constant 0.000000e+00 : f32
          %parallel_loop3A_157 = vector.broadcast %parallel_loop3A_156 : f32 to vector<16xf32>
          %parallel_loop3A_158 = arith.subf %parallel_loop3A_157, %parallel_loop3A_155 : vector<16xf32>
          %parallel_loop3A_159 = arith.subf %parallel_loop3A_118, %parallel_loop3A_124 : vector<16xf32>
          %parallel_loop3A_160 = arith.mulf %parallel_loop3A_158, %parallel_loop3A_159 : vector<16xf32>
          %parallel_loop3A_161 = arith.subf %parallel_loop3A_119, %parallel_loop3A_125 : vector<16xf32>
          %parallel_loop3A_162 = arith.mulf %parallel_loop3A_158, %parallel_loop3A_161 : vector<16xf32>
          %parallel_loop3A_163 = arith.index_cast %parallel_loop3A_113 : i32 to index
          %parallel_loop3A_164 = tpu.vector_load %arg16[%parallel_loop3A_163] {strides = array<i32>} : memref<400xi32, #tpu.memory_space<vmem>>, vector<16xi32>,
          %parallel_loop3A_165 = arith.addi %parallel_loop3A_164, %parallel_loop3A_164 : vector<16xi32>
          tpu.vector_store_idx %arg26[%parallel_loop3A_165], %parallel_loop3A_160 {add = true} : memref<100000xf32, #tpu.memory_space<vmem>>[vector<16xi32>], vector<16xf32>,
          %parallel_loop3A_166 = arith.constant 1 : i32
          %parallel_loop3A_167 = vector.broadcast %parallel_loop3A_166 : i32 to vector<16xi32>
          %parallel_loop3A_168 = arith.addi %parallel_loop3A_165, %parallel_loop3A_167 : vector<16xi32>
          tpu.vector_store_idx %arg26[%parallel_loop3A_168], %parallel_loop3A_162 {add = true} : memref<100000xf32, #tpu.memory_space<vmem>>[vector<16xi32>], vector<16xf32>,
        } {sc.loop_unroll_factor = 4 : i64, sc.parallel_access}
        %add3A_104 = arith.constant 2 : i32
        %add3A_105 = arith.addi %add3A_82, %add3A_104 : i32
        %lt3A_106 = arith.constant 125 : i32
        %lt3A_107 = arith.cmpi slt, %add3A_105, %lt3A_106 : i32
        %convert_element_type3A_108 = arith.extui %lt3A_107 : i1 to i32
        %cond3A_109 = arith.constant 0 : i32
        %cond3A_110 = arith.cmpi ne, %convert_element_type3A_108, %cond3A_109 : i32
        scf.if %cond3A_110 {
          %add3A_111 = arith.constant 2 : i32
          %add3A_112 = arith.addi %add3A_82, %add3A_111 : i32
          %mul3A_113 = arith.constant 50000 : i32
          %mul3A_114 = arith.muli %add3A, %mul3A_113 : i32
          %mul3A_115 = arith.constant 400 : i32
          %mul3A_116 = arith.muli %add3A_112, %mul3A_115 : i32
          %add3A_117 = arith.addi %mul3A_114, %mul3A_116 : i32
          %dma_start3A_118 = tpu.memref_slice %arg4[%add3A_117] : memref<1600000xi32, #tpu.memory_space<hbm>> -> memref<400xi32, #tpu.memory_space<hbm>>
          %dma_start3A_119 = tpu.memref_slice %arg4[%add3A_117] : memref<1600000xi32, #tpu.memory_space<hbm>> -> memref<400xi32, #tpu.memory_space<hbm>>
          tpu.enqueue_dma source(%dma_start3A_119 : memref<400xi32, #tpu.memory_space<hbm>>) target(%arg16 : memref<400xi32, #tpu.memory_space<vmem>>) target_semaphore(%arg28 : memref<!tpu.dma_semaphore, #tpu.memory_space<semaphore_mem>>)
          %dma_start3A_120 = tpu.memref_slice %arg5[%add3A_117] : memref<1600000xi32, #tpu.memory_space<hbm>> -> memref<400xi32, #tpu.memory_space<hbm>>
          %dma_start3A_121 = tpu.memref_slice %arg5[%add3A_117] : memref<1600000xi32, #tpu.memory_space<hbm>> -> memref<400xi32, #tpu.memory_space<hbm>>
          tpu.enqueue_dma source(%dma_start3A_121 : memref<400xi32, #tpu.memory_space<hbm>>) target(%arg17 : memref<400xi32, #tpu.memory_space<vmem>>) target_semaphore(%arg28 : memref<!tpu.dma_semaphore, #tpu.memory_space<semaphore_mem>>)
          %dma_start3A_122 = tpu.memref_slice %arg6[%add3A_117] : memref<1600000xf32, #tpu.memory_space<hbm>> -> memref<400xf32, #tpu.memory_space<hbm>>
          %dma_start3A_123 = tpu.memref_slice %arg6[%add3A_117] : memref<1600000xf32, #tpu.memory_space<hbm>> -> memref<400xf32, #tpu.memory_space<hbm>>
          tpu.enqueue_dma source(%dma_start3A_123 : memref<400xf32, #tpu.memory_space<hbm>>) target(%arg18 : memref<400xf32, #tpu.memory_space<vmem>>) target_semaphore(%arg28 : memref<!tpu.dma_semaphore, #tpu.memory_space<semaphore_mem>>)
          %dma_start3A_124 = tpu.memref_slice %arg7[%add3A_117] : memref<1600000xf32, #tpu.memory_space<hbm>> -> memref<400xf32, #tpu.memory_space<hbm>>
          %dma_start3A_125 = tpu.memref_slice %arg7[%add3A_117] : memref<1600000xf32, #tpu.memory_space<hbm>> -> memref<400xf32, #tpu.memory_space<hbm>>
          tpu.enqueue_dma source(%dma_start3A_125 : memref<400xf32, #tpu.memory_space<hbm>>) target(%arg19 : memref<400xf32, #tpu.memory_space<vmem>>) target_semaphore(%arg28 : memref<!tpu.dma_semaphore, #tpu.memory_space<semaphore_mem>>)
          %dma_start3A_126 = tpu.memref_slice %arg8[%add3A_117] : memref<1600000xf32, #tpu.memory_space<hbm>> -> memref<400xf32, #tpu.memory_space<hbm>>
          %dma_start3A_127 = tpu.memref_slice %arg8[%add3A_117] : memref<1600000xf32, #tpu.memory_space<hbm>> -> memref<400xf32, #tpu.memory_space<hbm>>
          tpu.enqueue_dma source(%dma_start3A_127 : memref<400xf32, #tpu.memory_space<hbm>>) target(%arg20 : memref<400xf32, #tpu.memory_space<vmem>>) target_semaphore(%arg28 : memref<!tpu.dma_semaphore, #tpu.memory_space<semaphore_mem>>)
        } else {
        }
      } else {
      }
    }
    %scan3A_69 = arith.constant 63 : i32
    %mul3A_70 = arith.constant 100000 : i32
    %mul3A_71 = arith.muli %add3A, %mul3A_70 : i32
    "tpu.region"() ({
      %run_scoped3A = tpu.sem_alloc : memref<!tpu.dma_semaphore, #tpu.memory_space<semaphore_mem>>
      %dma_start3A_72 = tpu.memref_slice %arg10[%mul3A_71] : memref<3200000xf32, #tpu.memory_space<hbm>> -> memref<100000xf32, #tpu.memory_space<hbm>>
      %dma_start3A_73 = tpu.memref_slice %arg10[%mul3A_71] : memref<3200000xf32, #tpu.memory_space<hbm>> -> memref<100000xf32, #tpu.memory_space<hbm>>
      tpu.enqueue_dma source(%arg26 : memref<100000xf32, #tpu.memory_space<vmem>>) target(%dma_start3A_73 : memref<100000xf32, #tpu.memory_space<hbm>>) target_semaphore(%run_scoped3A : memref<!tpu.dma_semaphore, #tpu.memory_space<semaphore_mem>>)
      %dma_wait3A_74 = tpu.memref_slice %arg10[%mul3A_71] : memref<3200000xf32, #tpu.memory_space<hbm>> -> memref<100000xf32, #tpu.memory_space<hbm>>
      %dma_wait3A_75 = tpu.memref_slice %arg10[%mul3A_71] : memref<3200000xf32, #tpu.memory_space<hbm>> -> memref<100000xf32, #tpu.memory_space<hbm>>
      tpu.wait_dma2 semaphore(%run_scoped3A : memref<!tpu.dma_semaphore, #tpu.memory_space<semaphore_mem>>) src(%arg26 : memref<100000xf32, #tpu.memory_space<vmem>>) dst(%dma_wait3A_75 : memref<100000xf32, #tpu.memory_space<hbm>>)
      tpu.yield
    }) : () -> ()
    return
  }
}

</mosaic_0001>

<sc_bundles>
// kernel: kernel.3.cloned.1.call-start
scs
__scs_entry_jumppad:
0x0: {  	(pc) =	sbr.rel $0x88, $3  }
0x1: {  	(tag) =	ssettag $0x0;
	lr =	simm.s32 $0x1  }
0x2: {  	[smem:$0x3F93] =	sst lr;
	_ =	strace $0xD0000000  }
0x3: {  	_ = 	snop  }
0x4: {  	_ = 	snop  }
0x5: {  	_ = 	snop  }
0x6: {  	_ = 	snop  }
0x7: {  	_ = 	snop  }
__scs_overlays_trampoline_lowered:
0x8: {  	[smem:$0x3FA2] =	sst s0  }
0x9: {  	[smem:$0x3FA3] =	sst s1  }
0xa: {  	[smem:$0x3FA4] =	sst s2  }
0xb: {  	[smem:$0x3FA5] =	sst s3  }
0xc: {  	[smem:$0x3FA6] =	sst s4  }
0xd: {  	[smem:$0x3FA7] =	sst s5  }
0xe: {  	[smem:$0x3FA8] =	sst s6  }
0xf: {  	[smem:$0x3FA9] =	sst s7  }
0x10: {  	[smem:$0x3FAA] =	sst s8  }
0x11: {  	[smem:$0x3FAB] =	sst s9;
	s0 =	simm.s32 @!p0 $0x0  }
0x12: {  	s1 =	sld [smem:$0x3F91];
	s0 =	simm.s32 @p0 $0x1  }
0x13: {  	[smem:$0x3FAC] =	sst s0;
	s0 =	simm.s32 @!p1 $0x0  }
0x14: {  	s2 =	sld [smem:$0x3F90];
	s0 =	simm.s32 @p1 $0x1  }
0x15: {  	[smem:$0x3FAD] =	sst s0;
	s0 =	simm.s32 @!p2 $0x0  }
0x16: {  	s3 =	sld [smem:$0x3FDB];
	s0 =	simm.s32 @p2 $0x1  }
0x17: {  	s4 =	simm.s32 $0x1BF5;
	[smem:$0x3FAF] =	sst s0  }
0x18: {  	s0 =	sld [smem:$0x3F92];
	_ =	swait.ge [sflag:s4], $0x0  }
0x19: {  	s7 =	sld [smem:$0x3F93]  }
0x1a: {  	s8 =	sadd.s32 $0xFFFFE003, lr  }
0x1b: {  	s9 =	sadd.s32 $0xFFFFFEF7, lr;
	s5 =	simm.s32 $0xFFFFFFFF;
	p2 =	slt.u32 s8, $0xFFFFF086  }
0x1c: {  	p1 =	slt.u32 s9, $0xF7A;
	s5 =	simm.s32 @!p2 $0x0  }
0x1d: {  	s5 =	simm.s32 @p1 $0x1;
	p0 =	seq.s32 s7, s2  }
0x1e: {  	s7 =	smul.u32 @!p0 $0xF7A, s2;
	p2 =	seq.s32 @!p0 s5, $0x0  }
0x1f: {  	s9 =	smul.u32 $0xF7A, s1;
	s8 =	simm.s32 @!p0 $0x1BF5;
	p2 =	por !p2, p0  }
0x20: {  	[sflag:s8] =	ssyncset.s32 @!p0 $0xFFFFF086;
	s6 =	sadd.s32 @!p0 s3, s7;
	s7 =	simm.s32 @!p0 $0x108  }
0x21: {  	s3 =	sadd.s32 s3, s9;
	s6 =	sadd.s32 @!p0 $0x88, s6;
	s7 =	simm.s32 @p2 $0x1082  }
0x22: {  	[simem:s7], [sflag:s8] =	dma.local @!p0 [hbm:s6], $0xF7A  }
0x23: {  	s9 =	sor.u32 $0xD0000000, s2;
	s6 =	simm.s32 $0x108;
	_ =	swait.ge @!p0 [sflag:s8], $0x0  }
0x24: {  	s3 =	sadd.s32 $0x88, s3;
	s6 =	simm.s32 @!p1 $0x1082;
	[sflag:s4] =	ssyncset.s32 $0xFFFFF086  }
0x25: {  	[simem:s6], [sflag:s4] =	dma.local [hbm:s3], $0xF7A  }
0x26: {  	[smem:$0x3F93] =	sst s1;
	(tag) =	ssettag s2;
	_ =	strace s9  }
0x27: {  	s1 =	sld [smem:$0x3FA3]  }
0x28: {  	s2 =	sld [smem:$0x3FA4]  }
0x29: {  	s4 =	sld [smem:$0x3FA6]  }
0x2a: {  	p0 =	seq.s32 s5, $0x0;
	s5 =	sld [smem:$0x3FA7]  }
0x2b: {  	s6 =	sld [smem:$0x3FA8]  }
0x2c: {  	s7 =	sld [smem:$0x3FA9]  }
0x2d: {  	s3 =	simm.s32 $0x108;
	s8 =	sld [smem:$0x3FAA]  }
0x2e: {  	s3 =	simm.s32 @!p0 $0x1082;
	s9 =	sld [smem:$0x3FAB]  }
0x2f: {  	lr =	sadd.s32 s0, s3;
	s0 =	sld [smem:$0x3FA2]  }
0x30: {  	s3 =	sld [smem:$0x3FA5]  }
0x31: {  	[smem:$0x3FAE] =	sst s10  }
0x32: {  	s10 =	sld [smem:$0x3FAC];
	_ =	sdelay $0x3  }
0x33: {  	p0 =	seq.s32 s10, $0x1;
	s10 =	sld [smem:$0x3FAE];
	_ =	sdelay $0x3  }
0x34: {  	[smem:$0x3FAE] =	sst s10  }
0x35: {  	s10 =	sld [smem:$0x3FAD];
	_ =	sdelay $0x3  }
0x36: {  	p1 =	seq.s32 s10, $0x1;
	s10 =	sld [smem:$0x3FAE];
	_ =	sdelay $0x3  }
0x37: {  	[smem:$0x3FAE] =	sst s10  }
0x38: {  	s10 =	sld [smem:$0x3FAF]  }
0x39: {  	_ = 	snop;
	(pc) =	sbr.ind lr, $3  }
0x3a: {  	_ = 	snop  }
0x3b: {  	_ = 	snop  }
0x3c: {  	p2 =	seq.s32 s10, $0x1;
	s10 =	sld [smem:$0x3FAE]  }
0x3d: {  	_ =	shalt  }
0x3e: {  	_ =	shalt  }
0x3f: {  	_ =	shalt  }
0x40: {  	_ =	shalt  }
0x41: {  	_ =	shalt  }
0x42: {  	_ =	shalt  }
0x43: {  	_ =	shalt  }
0x44: {  	_ =	shalt  }
0x45: {  	_ =	shalt  }
0x46: {  	_ =	shalt  }
0x47: {  	_ =	shalt  }
0x48: {  	_ =	shalt  }
0x49: {  	_ =	shalt  }
0x4a: {  	_ =	shalt  }
0x4b: {  	_ =	shalt  }
0x4c: {  	_ =	shalt  }
0x4d: {  	_ =	shalt  }
0x4e: {  	_ =	shalt  }
0x4f: {  	_ =	shalt  }
0x50: {  	_ =	shalt  }
0x51: {  	_ =	shalt  }
0x52: {  	_ =	shalt  }
0x53: {  	_ =	shalt  }
0x54: {  	_ =	shalt  }
0x55: {  	_ =	shalt  }
0x56: {  	_ =	shalt  }
0x57: {  	_ =	shalt  }
0x58: {  	_ =	shalt  }
0x59: {  	_ =	shalt  }
0x5a: {  	_ =	shalt  }
0x5b: {  	_ =	shalt  }
0x5c: {  	_ =	shalt  }
0x5d: {  	_ =	shalt  }
0x5e: {  	_ =	shalt  }
0x5f: {  	_ =	shalt  }
0x60: {  	_ =	shalt  }
0x61: {  	_ =	shalt  }
0x62: {  	_ =	shalt  }
0x63: {  	_ =	shalt  }
0x64: {  	_ =	shalt  }
0x65: {  	_ =	shalt  }
0x66: {  	_ =	shalt  }
0x67: {  	_ =	shalt  }
0x68: {  	_ =	shalt  }
0x69: {  	_ =	shalt  }
0x6a: {  	_ =	shalt  }
0x6b: {  	_ =	shalt  }
0x6c: {  	_ =	shalt  }
0x6d: {  	_ =	shalt  }
0x6e: {  	_ =	shalt  }
0x6f: {  	_ =	shalt  }
0x70: {  	_ =	shalt  }
0x71: {  	_ =	shalt  }
0x72: {  	_ =	shalt  }
0x73: {  	_ =	shalt  }
0x74: {  	_ =	shalt  }
0x75: {  	_ =	shalt  }
0x76: {  	_ =	shalt  }
0x77: {  	_ =	shalt  }
0x78: {  	_ =	shalt  }
0x79: {  	_ =	shalt  }
0x7a: {  	_ =	shalt  }
0x7b: {  	_ =	shalt  }
0x7c: {  	_ =	shalt  }
0x7d: {  	_ =	shalt  }
0x7e: {  	_ =	shalt  }
0x7f: {  	_ =	shalt  }
0x80: {  	_ =	shalt  }
0x81: {  	_ =	shalt  }
0x82: {  	_ =	shalt  }
0x83: {  	_ =	shalt  }
0x84: {  	_ =	shalt  }
0x85: {  	_ =	shalt  }
0x86: {  	_ =	shalt  }
0x87: {  	_ =	shalt  }
.Lfunc_end0:
.L_simem_size_0:
called_computation_lowered:
.L_overlay_start_0:
0x88: {  	s2 =	sld [smem:$0x3FD9]  }
0x89: {  	s3 =	sld [smem:$0x3FFE];
	_ =	sdelay $0x1  }
0x8a: {  	s1 =	srdreg.scid  }
0x8b: {  	s0 =	sand.u32 $0x1, s1  }
0x8c: {  	s17 =	sshll.u32 s0, $0xA;
	s2 =	sadd.s32 s3, s2  }
0x8d: {  	s2 =	sadd.s32 s2, s17  }
0x8e: {  	[smem:$0x3FBA] =	sst s2  }
0x8f: {  	_ = 	snop  }
0x90: {  	s2 =	sld [smem:$0x3FC9]  }
0x91: {  	s18 =	sld [smem:$0x3FC8]  }
0x92: {  	s4 =	sld [smem:$0x3FC3]  }
0x93: {  	s5 =	sld [smem:$0x3FD0];
	(tm) =	ssettm $0x1  }
0x94: {  	s6 =	sld [smem:$0x3FFB];
	_ =	sdelay $0x3  }
0x95: {  	_ =	strace s6  }
0x96: {  	s6 =	sld [smem:$0x3FFC];
	_ =	sdelay $0x3  }
0x97: {  	_ =	strace s6  }
0x98: {  	s6 =	sld [smem:$0x3FFD];
	_ =	sdelay $0x3  }
0x99: {  	_ =	strace s6  }
0x9a: {  	_ =	strace $0x8FFFFFFF  }
0x9b: {  	s19 =	sld [smem:$0x3FDB];
	_ =	sdelay $0x1  }
0x9c: {  	s7 =	simm.s32 $_scs_section_size  }
0x9d: {  	s8 =	simm.s32 $_size__tile_overlayer_lowered;
	s9 =	simm.s32 $_tile_overlayer_lowered  }
0x9e: {  	s22 =	simm.s32 $0x1BFF;
	s21 =	sshll.u32 s9, $0x1;
	s6 =	sadd.s32 s7, s19  }
0x9f: {  	s10 =	simm.s32 $0x0;
	s20 =	sshll.u32 s8, $0x1;
	s8 =	sadd.s32 s21, s6  }
0xa0: {  	[timem:s10], [sflag:s22] =	dma.local [hbm:s8], s20  }
0xa1: {  	_ =	swait.ge [sflag:s22], s20  }
0xa2: {  	s7 =	ssub.s32 $0x0, s20;
	[sflag:s22] =	ssyncset.done $0x0  }
0xa3: {  	[sflag:s22] =	ssyncadd.s32 s7;
	_ =	sdelay $0x1  }
0xa4: {  	s23 =	simm.s32 $0x1B8B  }
0xa5: {  	_ =	swait.ge [sflag:s23], $0x1  }
0xa6: {  	[sflag:s23] =	ssyncset.done $0x0  }
0xa7: {  	s25 =	simm.s32 $0x1B8E;
	s24 =	sld [smem:$0x3FFE];
	[sflag:s23] =	ssyncadd.s32 $0xFFFFFFFF  }
0xa8: {  	s26 =	simm.s32 $execute0_lowered;
	[smem:$0x3FD2] =	sst s25  }
0xa9: {  	s8 =	sshll.u32 s26, $0x1;
	_ =	strace $0x80000046;
	[dreg:$0x1] =	wrdreg $0xFFFFFFFF  }
0xaa: {  	s28 =	simm.s32 $_size_execute0_lowered;
	s6 =	sadd.s32 s6, s8;
	[dreg:$0x0] =	wrdreg $0x0  }
0xab: {  	s8 =	sshll.u32 s28, $0x1;
	[dreg:$0x2] =	wrdreg s6  }
0xac: {  	[dreg:$0x3] =	wrdreg s8  }
0xad: {  	[dreg:$0x4] =	wrdreg $0xC0  }
0xae: {  	_ =	task [dreg:s10], $0x5FFFF  }
0xaf: {  	[dreg:$0x1] =	wrdreg $0xFFFFFFFF  }
0xb0: {  	[dreg:$0x0] =	wrdreg $0x60  }
0xb1: {  	[dreg:$0x2] =	wrdreg s24  }
0xb2: {  	[dreg:$0x3] =	wrdreg s2  }
0xb3: {  	[dreg:$0x4] =	wrdreg s18  }
0xb4: {  	[dreg:$0x5] =	wrdreg s4  }
0xb5: {  	[dreg:$0x6] =	wrdreg s5  }
0xb6: {  	[dreg:$0x7] =	wrdreg $0x9  }
0xb7: {  	_ =	task.clear_ibuf [dreg:s10], $0x8FFFF;
	_ =	strace $0x90000046  }
0xb8: {  	s29 =	simm.s32 $0x9;
	_ =	strace $0x80000048  }
0xb9: {  	_ =	swait.ge [sflag:s29], $0x1  }
0xba: {  	[sflag:s29] =	ssyncadd.s32 $0xFFFFFFFF  }
0xbb: {  	_ =	strace $0x90000048  }
0xbc: {  	_ =	sfence  }
0xbd: {  	s30 =	sld [smem:$0x0];
	_ =	sdelay $0x2  }
0xbe: {  	s31 =	sshll.u32 s1, $0xD;
	s1 =	sshrl.u32 s1, $0x2  }
0xbf: {  	s3 =	sand.u32 $0x4000, s31;
	s1 =	sadd.s32 s1, s30  }
0xc0: {  	s0 =	sor.u32 s3, s0;
	s1 =	sshll.u32 s1, $0x11  }
0xc1: {  	s0 =	sor.u32 s1, s0  }
0xc2: {  	s0 =	sadd.s32 $0x8F2B, s0  }
0xc3: {  	[sflag:s0] =	ssyncadd.remote.s32 $0x1  }
0xc4: {  	_ =	sfence.sel $0xFFFF  }
0xc5: {  	[dreg:$0x0] =	wrdreg $0xFFFFFFFF;
	(pc) =	sbr.abs _section_cstart, $3  }
0xc6: {  	[dreg:$0x1] =	wrdreg $0xFFFFFFFF  }
0xc7: {  	_ =	task.clear_ibuf [dreg:s10], $0x2FFFF;
	_ =	strace $0x9FFFFFFF  }
0xc8: {  	(tm) =	ssettm $0x7FFFFFFF  }
0xc9: {  	_ =	shalt  }
tec
execute0_lowered:
.L_overlay_start_1:
0x0: {  	(tag) =	ssettag $0x1  }
0x1: {  	s0 =	rddreg [dreg:$0x0]  }
0x2: {  	s2 =	rddreg [dreg:$0x1]  }
0x3: {  	s1 =	srdreg.scid;
	s4 =	stileid.u32  }
0x4: {  	s3 =	rddreg [dreg:$0x2];
	s1 =	sand.u32 $0x1, s1;
	s4 =	sshll.u32 s4, $0x1  }
0x5: {  	s5 =	rddreg [dreg:$0x3];
	s7 =	simm.s32 $0x0;
	s4 =	sor.u32 s1, s4  }
0x6: {  	s28 =	simm.s32 $0x320;
	s1 =	ssub.s32 $0x2, s1;
	s6 =	smul.u32 $0x30D4, s4  }
0x7: {  	s29 =	simm.s32 $0x640;
	s4 =	smul.u32 $0xC350, s4;
	s11 =	sshrl.u32 s1, $0x1  }
0x8: {  	s30 =	simm.s32 $0x3;
	s13 =	simm.s32 $0x28A0;
	s1 =	ssub.s32 s1, s11  }
0x9: {  	[smem:$0x7FF] =	sst s7;
	s12 =	sshrl.u32 s4, $0x3;
	s1 =	smax.u32 s1, $0x1  }
0xa: {  	_ =	strace $0x80000047;
	s18 =	sadd.s32 s2, s12;
	[dreg:$0x12] =	wrdreg s1  }
0xb: {  	s9 =	sadd.s32 $0x49600, s0;
	s19 =	sadd.s32 s3, s12;
	[dreg:$0x6] =	wrdreg s18  }
0xc: {  	s10 =	sadd.s32 $0x18800, s0;
	s20 =	sadd.s32 s9, s12;
	[dreg:$0x7] =	wrdreg s19  }
0xd: {  	s6 =	sadd.s32 s6, s0;
	s21 =	sadd.s32 s10, s12;
	[dreg:$0x8] =	wrdreg s20  }
0xe: {  	s22 =	sadd.s32 $0x32, s12;
	s12 =	sadd.s32 s5, s12;
	[dreg:$0x9] =	wrdreg s21  }
0xf: {  	s14 =	simm.s32 $0x3520;
	s31 =	sadd.s32 $0x7A400, s6;
	[dreg:$0xa] =	wrdreg s12  }
0x10: {  	s16 =	simm.s32 $0x0;
	s23 =	sadd.s32 s2, s22;
	[dreg:$0x11] =	wrdreg s31  }
0x11: {  	s8 =	sadd.s32 $0xC400, s0;
	s24 =	sadd.s32 s3, s22;
	[dreg:$0xb] =	wrdreg s23  }
0x12: {  	s1 =	simm.s32 $0xFA0;
	s25 =	sadd.s32 s9, s22;
	[dreg:$0xc] =	wrdreg s24  }
.Ltmp0:
0x13: {  	v0 =	vlaneseq.u32;
	s26 =	sadd.s32 s10, s22;
	[dreg:$0xd] =	wrdreg s25;
	(pc) =	sbr.rel .LBB2_1-.Ltmp0, $4  }
0x14: {  	v0 =	vmul.u32 $0x8, v0;
	s6 =	simm.s32 $0x1C20;
	s11 =	sadd.s32 s5, s22;
	[dreg:$0xe] =	wrdreg s26  }
0x15: {  	v1 =	vimm.f32 $0.0e+00;
	s21 =	sadd.s32 $0x320, s4;
	s4 =	sadd.s32 $0x4B0, s4;
	[dreg:$0xf] =	wrdreg s11  }
0x16: {  	v2 =	vor.u32 $0xC00, v0;
	v3 =	vor.u32 $0xC01, v0;
	v4 =	vor.u32 $0xC02, v0;
	s18 =	simm.s32 $0x5;
	s12 =	simm.s32 $0x4;
	[dreg:$0x10] =	wrdreg s4  }
0x17: {  	v5 =	vor.u32 $0xC03, v0;
	v6 =	vor.u32 $0xC04, v0;
	v7 =	vor.u32 $0xC05, v0;
	s25 =	simm.s32 $0x190;
	s4 =	simm.s32 $0x1;
	s11 =	simm.s32 $0x41B0  }
.LBB2_14:
0x18: {  	s15 =	rddreg [dreg:$0x11];
	s18 =	simm.s32 $0x5  }
0x19: {  	[hbm4b:s15+s7] =	stream.linear.scatter [tilespmem:s11], [sflag:$0x5], $0x186A0, $0x38;
	[tilespmem:$0x1C850] =	vst v63  }
0x1a: {  	_ =	swait.ge [sflag:s18], $0x186A0  }
0x1b: {  	s16 =	rddreg [dreg:$0x13]  }
0x1c: {  	s31 =	rddreg [dreg:$0x12];
	s16 =	sadd.s32 $0x1, s16  }
0x1d: {  	p0 =	sne.s32 s16, s31  }
.Ltmp1:
0x1e: {  	_ = 	snop;
	(pc) =	sbr.rel @!p0 .LBB2_15-.Ltmp1, $3  }
0x1f: {  	_ =	sdelay $0x1  }
0x20: {  	[sflag:s18] =	ssyncset.done $0x0  }
0x21: {  	[sflag:s18] =	ssyncadd.s32 $0xFFFE7960  }
.LBB2_1:
0x22: {  	[dreg:$0x13] =	wrdreg s16  }
0x23: {  	s15 =	rddreg [dreg:$0x6]  }
0x24: {  	[tilespmem:s7], [sflag:$0x1] =	stream.linear.gather [hbm4b:s15+s7], $0x190, $0x38;
	[tilespmem:$0x1C850] =	vst v63  }
0x25: {  	s19 =	rddreg [dreg:$0x7]  }
0x26: {  	[tilespmem:s25], [sflag:$0x1] =	stream.linear.gather [hbm4b:s19+s7], $0x190, $0x38;
	[tilespmem:$0x1C850] =	vst v63  }
0x27: {  	s20 =	rddreg [dreg:$0x8]  }
0x28: {  	[tilespmem:s28], [sflag:$0x1] =	stream.linear.gather [hbm4b:s20+s7], $0x190, $0x38;
	[tilespmem:$0x1C850] =	vst v63  }
0x29: {  	s22 =	rddreg [dreg:$0x9];
	s23 =	simm.s32 $0x4B0  }
0x2a: {  	[tilespmem:s23], [sflag:$0x1] =	stream.linear.gather [hbm4b:s22+s7], $0x190, $0x38;
	[tilespmem:$0x1C850] =	vst v63  }
0x2b: {  	s24 =	rddreg [dreg:$0xa]  }
0x2c: {  	[tilespmem:s29], [sflag:$0x1] =	stream.linear.gather [hbm4b:s24+s7], $0x190, $0x38;
	[tilespmem:$0x1C850] =	vst v63  }
0x2d: {  	s26 =	rddreg [dreg:$0xb];
	s31 =	simm.s32 $0x7D0  }
0x2e: {  	[tilespmem:s31], [sflag:$0x2] =	stream.linear.gather [hbm4b:s26+s7], $0x190, $0x38;
	[tilespmem:$0x1C850] =	vst v63  }
0x2f: {  	s17 =	rddreg [dreg:$0xc];
	s19 =	simm.s32 $0x960  }
0x30: {  	[tilespmem:s19], [sflag:$0x2] =	stream.linear.gather [hbm4b:s17+s7], $0x190, $0x38;
	[tilespmem:$0x1C850] =	vst v63  }
0x31: {  	s20 =	rddreg [dreg:$0xd];
	s22 =	simm.s32 $0xAF0  }
0x32: {  	[tilespmem:s22], [sflag:$0x2] =	stream.linear.gather [hbm4b:s20+s7], $0x190, $0x38;
	[tilespmem:$0x1C850] =	vst v63  }
0x33: {  	s23 =	rddreg [dreg:$0xe];
	s24 =	simm.s32 $0xC80  }
0x34: {  	[tilespmem:s24], [sflag:$0x2] =	stream.linear.gather [hbm4b:s23+s7], $0x190, $0x38;
	[tilespmem:$0x1C850] =	vst v63  }
0x35: {  	s15 =	simm.s32 $0x41F0;
	s26 =	rddreg [dreg:$0xf];
	s31 =	simm.s32 $0xE10  }
0x36: {  	[tilespmem:s31], [sflag:$0x2] =	stream.linear.gather [hbm4b:s26+s7], $0x190, $0x38;
	[tilespmem:$0x1C850] =	vst v63  }
0x37: {  	[tilespmem:s15+$0xFFFFFFC0] =	vst v1  }
0x38: {  	[tilespmem:s15+$0x30] =	vst v1  }
0x39: {  	[tilespmem:s15+$0x20] =	vst v1  }
0x3a: {  	[tilespmem:s15+$0x10] =	vst v1  }
0x3b: {  	[tilespmem:s15+$0x0] =	vst v1  }
0x3c: {  	[tilespmem:s15+$0xFFFFFFF0] =	vst v1  }
0x3d: {  	s16 =	simm.s32 $0x0;
	[tilespmem:s15+$0xFFFFFFE0] =	vst v1  }
.LBB2_2:
0x3e: {  	s16 =	sadd.s32 $0x8, s16;
	[tilespmem:s15+$0xFFFFFFD0] =	vst v1;
	s15 =	sadd.s32 $0x80, s15  }
0x3f: {  	[tilespmem:s15+$0xFFFFFFC0] =	vst v1;
	p0 =	slt.u32 s16, $0x1860  }
0x40: {  	[tilespmem:s15+$0x30] =	vst v1  }
.Ltmp2:
0x41: {  	[tilespmem:s15+$0x20] =	vst v1;
	(pc) =	sbr.rel @p0 .LBB2_2-.Ltmp2, $4  }
0x42: {  	[tilespmem:s15+$0x10] =	vst v1  }
0x43: {  	[tilespmem:s15+$0x0] =	vst v1  }
0x44: {  	[tilespmem:s15+$0xFFFFFFF0] =	vst v1  }
0x45: {  	[tilespmem:s15+$0xFFFFFFE0] =	vst v1  }
0x46: {  	[tilespmem:s15+$0xFFFFFFD0] =	vst v1;
	s15 =	simm.s32 $0x0  }
.LBB2_4:
0x47: {  	p0 =	sne.s32 s15, $0x40  }
.Ltmp3:
0x48: {  	_ = 	snop;
	(pc) =	sbr.rel @p0 .LBB2_4-.Ltmp3, $3  }
0x49: {  	_ =	sdelay $0x1  }
0x4a: {  	s16 =	sshra.s32 s15, $0x2  }
0x4b: {  	s15 =	sadd.s32 $0x40, s15;
	[tilespmem:s16+$0x1C830] =	vst v1  }
0x4c: {  	s16 =	simm.s32 $0x0;
	s15 =	rddreg [dreg:$0x4];
	s17 =	simm.s32 $0x41A0  }
0x4d: {  	[tilespmem:s17], [sflag:$0x5] =	stream.linear.gather [hbm4b:s15+s16], $0x10, $0x38;
	[tilespmem:$0x1C850] =	vst v63  }
0x4e: {  	_ =	swait.ge [sflag:s18], $0x10  }
0x4f: {  	[sflag:s18] =	ssyncset.done $0x0  }
0x50: {  	[sflag:s18] =	ssyncadd.s32 $0xFFFFFFF0  }
0x51: {  	v8 =	vld [tilespmem:$0x41A0];
	_ =	swait.ge [sflag:s4], $0x190  }
0x52: {  	[sflag:s4] =	ssyncset.done $0x0  }
0x53: {  	[sflag:s4] =	ssyncadd.s32 $0xFFFFFE70  }
0x54: {  	_ =	swait.ge [sflag:s4], $0x190  }
0x55: {  	[sflag:s4] =	ssyncset.done $0x0  }
0x56: {  	[sflag:s4] =	ssyncadd.s32 $0xFFFFFE70  }
0x57: {  	_ =	swait.ge [sflag:s4], $0x190  }
0x58: {  	[sflag:s4] =	ssyncset.done $0x0  }
0x59: {  	[sflag:s4] =	ssyncadd.s32 $0xFFFFFE70  }
0x5a: {  	_ =	swait.ge [sflag:s4], $0x190  }
0x5b: {  	[sflag:s4] =	ssyncset.done $0x0  }
0x5c: {  	[sflag:s4] =	ssyncadd.s32 $0xFFFFFE70  }
0x5d: {  	_ =	swait.ge [sflag:s4], $0x190  }
.Ltmp4:
0x5e: {  	[sflag:s4] =	ssyncset.done $0x0;
	(pc) =	sbr.rel .LBB2_6-.Ltmp4, $4  }
0x5f: {  	[sflag:s4] =	ssyncadd.s32 $0xFFFFFE70  }
0x60: {  	[tilespmem:s1], [sflag:$0x3] =	stream.indirect.gather [hbm4b:s8+s25], $0x8, s16, s25, $0xb8;
	[tilespmem:$0x1C850] =	vst v63  }
0x61: {  	s17 =	simm.s32 $0x0  }
0x62: {  	[tilespmem:s6], [sflag:$0x3] =	stream.indirect.gather [hbm4b:s0+s25], $0x8, s25, s25, $0xb8;
	[tilespmem:$0x1C850] =	vst v63  }
.LBB2_13:
0x63: {  	s17 =	sadd.s32 $0x1, s17  }
.LBB2_6:
0x64: {  	_ =	swait.ge [sflag:s30], $0xC80  }
0x65: {  	[sflag:s30] =	ssyncset.done $0x0  }
0x66: {  	[sflag:s30] =	ssyncadd.s32 $0xFFFFF380  }
0x67: {  	_ =	swait.ge [sflag:s30], $0xC80  }
0x68: {  	p0 =	sgt.u32 s17, $0x3D;
	[sflag:s30] =	ssyncset.done $0x0  }
0x69: {  	s15 =	simm.s32 @!p0 $0x2;
	[sflag:s30] =	ssyncadd.s32 $0xFFFFF380  }
0x6a: {  	_ =	swait.ge @!p0 [sflag:s15], $0x190  }
0x6b: {  	[sflag:s15] =	ssyncset.done @!p0 $0x0  }
0x6c: {  	[sflag:s15] =	ssyncadd.s32 @!p0 $0xFFFFFE70  }
0x6d: {  	_ =	swait.ge @!p0 [sflag:s15], $0x190  }
0x6e: {  	[sflag:s15] =	ssyncset.done @!p0 $0x0  }
0x6f: {  	[sflag:s15] =	ssyncadd.s32 @!p0 $0xFFFFFE70  }
0x70: {  	_ =	swait.ge @!p0 [sflag:s15], $0x190  }
0x71: {  	[sflag:s15] =	ssyncset.done @!p0 $0x0  }
0x72: {  	[sflag:s15] =	ssyncadd.s32 @!p0 $0xFFFFFE70  }
0x73: {  	_ =	swait.ge @!p0 [sflag:s15], $0x190  }
0x74: {  	s18 =	simm.s32 $0x30;
	[sflag:s15] =	ssyncset.done @!p0 $0x0  }
0x75: {  	v9 =	vmov s18;
	[sflag:s15] =	ssyncadd.s32 @!p0 $0xFFFFFE70  }
0x76: {  	v9 =	vshll.u32 v9, $0x3;
	_ =	swait.ge @!p0 [sflag:s15], $0x190  }
0x77: {  	s20 =	simm.s32 $0x10;
	s18 =	simm.s32 @!p0 $0x7D0;
	v9 =	vor.u32 v0, v9;
	[sflag:s15] =	ssyncset.done @!p0 $0x0  }
0x78: {  	s19 =	simm.s32 @!p0 $0x28A0;
	v10 =	vmov s20;
	[sflag:s15] =	ssyncadd.s32 @!p0 $0xFFFFFE70;
	s15 =	simm.s32 @!p0 $0x190  }
0x79: {  	v10 =	vshll.u32 v10, $0x3;
	v11 =	vor.u32 $0x1, v9;
	[tilespmem:s19], [sflag:$0x4] =	stream.indirect.gather @!p0 [hbm4b:s8+s15], $0x8, s18, s15, $0xb8;
	[tilespmem:$0x1C850] =	vst v63  }
0x7a: {  	s20 =	simm.s32 $0x20;
	v10 =	vor.u32 v0, v10;
	s18 =	simm.s32 @!p0 $0x960;
	s19 =	simm.s32 @!p0 $0x3520  }
0x7b: {  	v12 =	vor.u32 $0x1, v10;
	[tilespmem:s19], [sflag:$0x4] =	stream.indirect.gather @!p0 [hbm4b:s0+s15], $0x8, s18, s15, $0xb8;
	[tilespmem:$0x1C850] =	vst v63  }
0x7c: {  	v13 =	vmov s20;
	v14 =	vld.idx.msk [tilespmem:v9+s1+$0x0], $0xffff  }
0x7d: {  	v13 =	vshll.u32 v13, $0x3;
	v15 =	vor.u32 $0x5, v9;
	v16 =	vld.idx.msk [tilespmem:v9+s6+$0x0], $0xffff  }
0x7e: {  	v13 =	vor.u32 v0, v13;
	v18 =	vld.idx.msk [tilespmem:v11+s1+$0x0], $0xffff  }
0x7f: {  	v19 =	vor.u32 $0x1, v13;
	v11 =	vld.idx.msk [tilespmem:v11+s6+$0x0], $0xffff  }
0x80: {  	v20 =	vld.idx.msk [tilespmem:v12+s1+$0x0], $0xffff  }
0x81: {  	v12 =	vld.idx.msk [tilespmem:v12+s6+$0x0], $0xffff  }
0x82: {  	v22 =	vld.idx.msk [tilespmem:v15+s1+$0x0], $0xffff  }
0x83: {  	v15 =	vld.idx.msk [tilespmem:v15+s6+$0x0], $0xffff  }
0x84: {  	v17 =	vmov s16;
	v24 =	vld.idx.msk [tilespmem:v19+s1+$0x0], $0xffff  }
0x85: {  	s22 =	simm.s32 $0x660;
	v17 =	vshll.u32 v17, $0x3;
	v19 =	vld.idx.msk [tilespmem:v19+s6+$0x0], $0xffff  }
0x86: {  	v17 =	vor.u32 v0, v17;
	v23 =	vld [tilespmem:s22+$0x10]  }
0x87: {  	s23 =	simm.s32 $0x340;
	v28 =	vld.idx.msk [tilespmem:v10+s1+$0x0], $0xffff  }
0x88: {  	s24 =	simm.s32 $0x4D0;
	v29 =	vld [tilespmem:s23+$0x10]  }
0x89: {  	v30 =	vld [tilespmem:s24+$0x10]  }
0x8a: {  	v31 =	vld.idx.msk [tilespmem:v13+s1+$0x0], $0xffff  }
0x8b: {  	v32 =	vld.idx.msk [tilespmem:v17+s1+$0x0], $0xffff  }
0x8c: {  	v34 =	vld.idx.msk [tilespmem:v17+s6+$0x0], $0xffff  }
0x8d: {  	v37 =	vld [tilespmem:s22+$0xFFFFFFE0]  }
0x8e: {  	v38 =	vld [tilespmem:s22+$0xFFFFFFF0];
	v14 =	vsub.f32 v16, v14;
	v11 =	vsub.f32 v11, v18  }
0x8f: {  	v21 =	vor.u32 $0x1, v17;
	v39 =	vld [tilespmem:s22+$0x0]  }
0x90: {  	v46 =	vld [tilespmem:s23+$0xFFFFFFE0];
	v18 =	vor.u32 $0x4, v9;
	v25 =	vmul.f32 v14, v14;
	v26 =	vmul.f32 v11, v11  }
0x91: {  	v47 =	vld [tilespmem:s24+$0xFFFFFFE0];
	v27 =	vsub.f32 $1.000000000e+00, v23  }
0x92: {  	v48 =	vld [tilespmem:s23+$0xFFFFFFF0];
	v15 =	vadd.f32 v15, v22;
	v25 =	vadd.f32 v26, v25  }
0x93: {  	v49 =	vld [tilespmem:s24+$0xFFFFFFF0];
	v23 =	vmul.f32 v27, v23  }
0x94: {  	v16 =	vld.idx.msk [tilespmem:v21+s1+$0x0], $0xffff;
	v15 =	vmul.f32 v15, v15;
	v25 =	vadd.f32 v25, v8  }
0x95: {  	v11 =	vmul.f32 v30, v11;
	v30 =	vor.u32 $0x5, v13;
	v23 =	vmul.f32 v23, v27;
	v26 =	vld.idx.msk [tilespmem:v18+s1+$0x0], $0xffff  }
0x96: {  	v18 =	vld.idx.msk [tilespmem:v18+s6+$0x0], $0xffff;
	v15 =	vmul.f32 v15, v25  }
0x97: {  	v22 =	vld.idx.msk [tilespmem:v10+s6+$0x0], $0xffff;
	v23 =	vmul.f32 v23, v27;
	v27 =	vor.u32 $0x5, v10  }
0x98: {  	v21 =	vld.idx.msk [tilespmem:v21+s6+$0x0], $0xffff;
	v25 =	vor.u32 $0x2, v9;
	(erf) = vrcp.f32 v15  }
0x99: {  	v15 =	vld.idx.msk [tilespmem:v13+s6+$0x0], $0xffff  }
0x9a: {  	s26 =	simm.s32 $0x20;
	v36 =	vld.idx.msk [tilespmem:v30+s1+$0x0], $0xffff  }
0x9b: {  	v14 =	vmul.f32 v29, v14;
	v9 =	vor.u32 $0x3, v9;
	v18 =	vmul.f32 v18, v26;
	v26 =	vld [tilespmem:s26+$0x10]  }
0x9c: {  	v52 =	vsub.f32 v12, v20;
	v28 =	vsub.f32 v22, v28;
	v35 =	vld.idx.msk [tilespmem:v27+s6+$0x0], $0xffff  }
0x9d: {  	v53 =	vsub.f32 v19, v24;
	v11 =	vadd.f32 v11, v14;
	v14 =	vmul.f32 v23, v18;
	v33 =	vld.idx.msk [tilespmem:v25+s1+$0x0], $0xffff  }
0x9e: {  	v54 =	vsub.f32 v21, v16;
	v16 =	vmul.f32 v28, v28;
	v25 =	vld.idx.msk [tilespmem:v25+s6+$0x0], $0xffff;
	v31 =	vsub.f32 v15, v31  }
0x9f: {  	v11 =	vmul.f32 v14, v11;
	v14 =	vld.idx.msk [tilespmem:v27+s1+$0x0], $0xffff;
	v15 =	vmul.f32 v52, v52  }
0xa0: {  	v19 =	vmul.f32 v53, v53;
	v18 =	vor.u32 $0x5, v17;
	v29 =	vld.idx.msk [tilespmem:v9+s1+$0x0], $0xffff;
	v20 =	vmul.f32 v31, v31  }
0xa1: {  	v51 =	vor.u32 $0x2, v17;
	s22 =	simm.s32 $0x70;
	v9 =	vld.idx.msk [tilespmem:v9+s6+$0x0], $0xffff;
	v15 =	vadd.f32 v15, v16;
	v23 =	vpop (erf)  }
0xa2: {  	v30 =	vld.idx.msk [tilespmem:v30+s6+$0x0], $0xffff;
	v16 =	vadd.f32 v19, v20;
	v19 =	vmov s22;
	v11 =	vmul.f32 v11, v23  }
0xa3: {  	v50 =	vld [tilespmem:s23+$0x0];
	v25 =	vsub.f32 v33, v25;
	v23 =	vshll.u32 v26, $0x1;
	v19 =	vshll.u32 v19, $0x3  }
0xa4: {  	v27 =	vld [tilespmem:s24+$0x0];
	v21 =	vadd.f32 v35, v14;
	v35 =	vor.u32 v0, v19;
	v11 =	vsub.f32 $0.0e+00, v11  }
0xa5: {  	v61 =	vld.idx.msk [tilespmem:v18+s1+$0x0], $0xffff  }
0xa6: {  	v9 =	vsub.f32 v29, v9;
	v29 =	vld.idx.msk [tilespmem:v18+s6+$0x0], $0xffff;
	v26 =	vor.u32 $0x1, v23;
	v18 =	vmul.f32 v11, v25  }
0xa7: {  	v30 =	vadd.f32 v30, v36;
	v22 =	vadd.f32 v15, v8;
	v15 =	vld.idx.msk [tilespmem:v51+s6+$0x0], $0xffff;
	v36 =	vor.u32 $0x1, v35  }
0xa8: {  	[tilespmem:v23+s11+$0x0] =	vst.idx.add.f32.msk $0xffff, v18  }
0xa9: {  	v32 =	vsub.f32 v34, v32;
	v34 =	vor.u32 $0x5, v35;
	v9 =	vmul.f32 v11, v9;
	v56 =	vld.idx.msk [tilespmem:v35+s1+$0x0], $0xffff  }
0xaa: {  	v21 =	vmul.f32 v21, v21;
	v25 =	vor.u32 $0x4, v10;
	v57 =	vld.idx.msk [tilespmem:v35+s6+$0x0], $0xffff  }
0xab: {  	v30 =	vmul.f32 v30, v30;
	s24 =	simm.s32 $0x60;
	v62 =	vadd.f32 v16, v8;
	[tilespmem:v26+s11+$0x0] =	vst.idx.add.f32.msk $0xffff, v9  }
0xac: {  	v22 =	vmul.f32 v21, v22;
	v21 =	vmov s24;
	v11 =	vor.u32 $0x4, v13;
	v59 =	vld.idx.msk [tilespmem:v36+s1+$0x0], $0xffff  }
0xad: {  	v21 =	vshll.u32 v21, $0x3;
	v36 =	vld.idx.msk [tilespmem:v36+s6+$0x0], $0xffff  }
0xae: {  	v30 =	vmul.f32 v30, v62;
	v21 =	vor.u32 v0, v21;
	v62 =	vld.idx.msk [tilespmem:v34+s1+$0x0], $0xffff  }
0xaf: {  	v18 =	vor.u32 $0x2, v13;
	v13 =	vor.u32 $0x3, v13;
	v40 =	vld.idx.msk [tilespmem:v25+s1+$0x0], $0xffff  }
0xb0: {  	v41 =	vld.idx.msk [tilespmem:v25+s6+$0x0], $0xffff  }
0xb1: {  	v49 =	vmul.f32 v49, v52;
	v28 =	vmul.f32 v48, v28;
	v42 =	vld.idx.msk [tilespmem:v11+s1+$0x0], $0xffff  }
0xb2: {  	v33 =	vsub.f32 $1.000000000e+00, v37;
	v43 =	vld.idx.msk [tilespmem:v11+s6+$0x0], $0xffff  }
0xb3: {  	v28 =	vadd.f32 v49, v28;
	v29 =	vadd.f32 v29, v61;
	v61 =	vor.u32 $0x1, v21;
	v49 =	vld.idx.msk [tilespmem:v21+s6+$0x0], $0xffff  }
0xb4: {  	v37 =	vmul.f32 v33, v37;
	v9 =	vor.u32 $0x4, v17;
	v12 =	vld.idx.msk [tilespmem:v13+s1+$0x0], $0xffff  }
0xb5: {  	v24 =	vld.idx.msk [tilespmem:v18+s6+$0x0], $0xffff  }
0xb6: {  	v37 =	vmul.f32 v37, v33;
	v17 =	vor.u32 $0x3, v17;
	v26 =	vld.idx.msk [tilespmem:v13+s6+$0x0], $0xffff  }
0xb7: {  	v13 =	vld.idx.msk [tilespmem:v51+s1+$0x0], $0xffff  }
0xb8: {  	v33 =	vmul.f32 v37, v33;
	v11 =	vor.u32 $0x2, v10;
	v37 =	vld.idx.msk [tilespmem:v61+s6+$0x0], $0xffff  }
0xb9: {  	v10 =	vor.u32 $0x3, v10;
	v44 =	vld.idx.msk [tilespmem:v9+s1+$0x0], $0xffff  }
0xba: {  	v45 =	vld.idx.msk [tilespmem:v9+s6+$0x0], $0xffff  }
0xbb: {  	v14 =	vld.idx.msk [tilespmem:v17+s1+$0x0], $0xffff  }
0xbc: {  	v19 =	vld.idx.msk [tilespmem:v17+s6+$0x0], $0xffff  }
0xbd: {  	v23 =	vld.idx.msk [tilespmem:v11+s1+$0x0], $0xffff  }
0xbe: {  	v60 =	vsub.f32 $1.000000000e+00, v38;
	v9 =	vld.idx.msk [tilespmem:v10+s1+$0x0], $0xffff  }
0xbf: {  	v25 =	vld.idx.msk [tilespmem:v11+s6+$0x0], $0xffff  }
0xc0: {  	s23 =	simm.s32 $0x50;
	v38 =	vmul.f32 v60, v38;
	v11 =	vld.idx.msk [tilespmem:v10+s6+$0x0], $0xffff  }
0xc1: {  	s18 =	simm.s32 $0x6A0;
	v20 =	vmul.f32 v32, v32;
	v17 =	vmov s23;
	v10 =	vld.idx.msk [tilespmem:v18+s1+$0x0], $0xffff;
	v18 =	vmul.f32 v54, v54  }
0xc2: {  	v63 =	vmul.f32 v38, v60;
	v36 =	vsub.f32 v36, v59;
	v59 =	vld [tilespmem:s18+$0x10];
	v17 =	vshll.u32 v17, $0x3  }
0xc3: {  	v38 =	vmul.f32 v41, v40;
	v40 =	vld.idx.msk [tilespmem:v61+s1+$0x0], $0xffff;
	v16 =	vadd.f32 v18, v20;
	v20 =	vor.u32 v0, v17  }
0xc4: {  	v18 =	vld [tilespmem:s26+$0xFFFFFFE0]  }
0xc5: {  	v29 =	vmul.f32 v29, v29;
	s23 =	simm.s32 $0x60;
	v17 =	vld [tilespmem:s26+$0x0];
	v51 =	vadd.f32 v16, v8  }
0xc6: {  	v55 =	vor.u32 $0x1, v20;
	v44 =	vmul.f32 v45, v44;
	v45 =	vmul.f32 v47, v54;
	v54 =	vld [tilespmem:s23+$0x10]  }
0xc7: {  	(erf) = vrcp.f32 v22;
	v16 =	vld [tilespmem:s26+$0xFFFFFFF0];
	v29 =	vmul.f32 v29, v51  }
0xc8: {  	v32 =	vmul.f32 v46, v32;
	(erf) = vrcp.f32 v30;
	v41 =	vsub.f32 v57, v56;
	v46 =	vld.idx.msk [tilespmem:v20+s1+$0x0], $0xffff  }
0xc9: {  	v57 =	vor.u32 $0x4, v35;
	v61 =	vmul.f32 v36, v36;
	s26 =	simm.s32 $0x40;
	(erf) = vrcp.f32 v29;
	v29 =	vld.idx.msk [tilespmem:v34+s6+$0x0], $0xffff  }
0xca: {  	v58 =	vmov s26;
	v47 =	vld.idx.msk [tilespmem:v20+s6+$0x0], $0xffff;
	v34 =	vmul.f32 v63, v60;
	v60 =	vmul.f32 v41, v41  }
0xcb: {  	s19 =	simm.s32 $0x380;
	v31 =	vmul.f32 v50, v31;
	v27 =	vmul.f32 v27, v53;
	v58 =	vshll.u32 v58, $0x3;
	v51 =	vld.idx.msk [tilespmem:v55+s1+$0x0], $0xffff  }
0xcc: {  	v22 =	vor.u32 v0, v58;
	v58 =	vsub.f32 $1.000000000e+00, v39;
	v63 =	vadd.f32 v61, v60;
	v60 =	vld [tilespmem:s19+$0x10]  }
0xcd: {  	v27 =	vadd.f32 v27, v31;
	v30 =	vor.u32 $0x1, v22;
	v55 =	vld.idx.msk [tilespmem:v55+s6+$0x0], $0xffff  }
0xce: {  	v39 =	vmul.f32 v58, v39;
	v34 =	vmul.f32 v34, v38;
	v38 =	vld.idx.msk [tilespmem:v57+s1+$0x0], $0xffff;
	v29 =	vadd.f32 v29, v62  }
0xcf: {  	s20 =	simm.s32 $0x510;
	v48 =	vor.u32 $0x4, v21;
	v42 =	vmul.f32 v43, v42;
	v12 =	vsub.f32 v12, v26;
	v57 =	vld.idx.msk [tilespmem:v57+s6+$0x0], $0xffff  }
0xd0: {  	v61 =	vld [tilespmem:s20+$0x10];
	v39 =	vmul.f32 v39, v58;
	v43 =	vadd.f32 v63, v8;
	v29 =	vmul.f32 v29, v29  }
0xd1: {  	v28 =	vmul.f32 v34, v28;
	v34 =	vld.idx.msk [tilespmem:v22+s1+$0x0], $0xffff;
	v41 =	vmul.f32 v60, v41;
	v60 =	vor.u32 $0x5, v21  }
0xd2: {  	v52 =	vld.idx.msk [tilespmem:v22+s6+$0x0], $0xffff;
	v39 =	vmul.f32 v39, v58;
	v58 =	vsub.f32 $1.000000000e+00, v59;
	v29 =	vmul.f32 v29, v43  }
0xd3: {  	v15 =	vsub.f32 v13, v15;
	v33 =	vmul.f32 v33, v44;
	v56 =	vld.idx.msk [tilespmem:v30+s1+$0x0], $0xffff;
	v43 =	vor.u32 $0x2, v35  }
0xd4: {  	v30 =	vld.idx.msk [tilespmem:v30+s6+$0x0], $0xffff;
	v62 =	vmul.f32 v58, v59;
	v35 =	vor.u32 $0x3, v35;
	(erf) = vrcp.f32 v29  }
0xd5: {  	v32 =	vadd.f32 v45, v32;
	v39 =	vmul.f32 v39, v42;
	v36 =	vmul.f32 v61, v36;
	v29 =	vld.idx.msk [tilespmem:v21+s1+$0x0], $0xffff  }
0xd6: {  	v23 =	vsub.f32 v23, v25;
	v38 =	vmul.f32 v57, v38;
	v57 =	vpop (erf);
	v63 =	vmul.f32 v62, v58;
	v26 =	vld.idx.msk [tilespmem:v60+s1+$0x0], $0xffff  }
0xd7: {  	v11 =	vsub.f32 v9, v11;
	v28 =	vmul.f32 v28, v57;
	v36 =	vadd.f32 v36, v41;
	v41 =	vld.idx.msk [tilespmem:v60+s6+$0x0], $0xffff  }
0xd8: {  	v27 =	vmul.f32 v39, v27;
	v31 =	vmul.f32 v63, v58;
	v58 =	vor.u32 $0x5, v20;
	v59 =	vld.idx.msk [tilespmem:v43+s1+$0x0], $0xffff  }
0xd9: {  	v24 =	vsub.f32 v10, v24;
	v32 =	vmul.f32 v33, v32;
	v61 =	vpop (erf);
	v25 =	vsub.f32 $0.0e+00, v28;
	v39 =	vld.idx.msk [tilespmem:v35+s1+$0x0], $0xffff  }
0xda: {  	v27 =	vmul.f32 v27, v61;
	v63 =	vor.u32 $0x5, v22;
	v31 =	vmul.f32 v31, v38;
	v43 =	vld.idx.msk [tilespmem:v43+s6+$0x0], $0xffff  }
0xdb: {  	v54 =	vshll.u32 v54, $0x1;
	v34 =	vsub.f32 v52, v34;
	v30 =	vsub.f32 v30, v56;
	v28 =	vld.idx.msk [tilespmem:v35+s6+$0x0], $0xffff  }
0xdc: {  	v62 =	vpop (erf);
	v9 =	vmul.f32 v25, v23;
	v23 =	vsub.f32 $0.0e+00, v27;
	v31 =	vmul.f32 v31, v36;
	v36 =	vld.idx.msk [tilespmem:v48+s6+$0x0], $0xffff  }
0xdd: {  	v61 =	vor.u32 $0x4, v20;
	v10 =	vmul.f32 v25, v11;
	v25 =	vsub.f32 v55, v51;
	v33 =	vld.idx.msk [tilespmem:v58+s1+$0x0], $0xffff;
	v53 =	vpop (erf)  }
0xde: {  	v11 =	vmul.f32 v23, v24;
	v24 =	vsub.f32 v47, v46;
	v27 =	vld.idx.msk [tilespmem:v58+s6+$0x0], $0xffff;
	v31 =	vmul.f32 v31, v53  }
0xdf: {  	v32 =	vmul.f32 v32, v62;
	v35 =	vld.idx.msk [tilespmem:v63+s6+$0x0], $0xffff;
	v26 =	vadd.f32 v41, v26;
	v57 =	vsub.f32 v59, v43  }
0xe0: {  	v58 =	vor.u32 $0x1, v54;
	v41 =	vld.idx.msk [tilespmem:v48+s1+$0x0], $0xffff;
	v28 =	vsub.f32 v39, v28;
	v31 =	vsub.f32 $0.0e+00, v31  }
0xe1: {  	v62 =	vmul.f32 v25, v25;
	v29 =	vsub.f32 v49, v29;
	v47 =	vmul.f32 v24, v24;
	v59 =	vld.idx.msk [tilespmem:v63+s1+$0x0], $0xffff  }
0xe2: {  	v63 =	vld [tilespmem:s18+$0xFFFFFFE0];
	v60 =	vmul.f32 v31, v57;
	v28 =	vmul.f32 v31, v28;
	v31 =	vsub.f32 $0.0e+00, v32  }
0xe3: {  	v52 =	vmul.f32 v30, v30;
	v32 =	vsub.f32 v37, v40;
	v37 =	vadd.f32 v62, v47;
	v62 =	vld [tilespmem:s20+$0xFFFFFFE0]  }
0xe4: {  	v13 =	vshll.u32 v18, $0x1;
	v55 =	vmul.f32 v34, v34;
	v53 =	vmul.f32 v29, v29;
	[tilespmem:v54+s11+$0x0] =	vst.idx.add.f32.msk $0xffff, v60  }
0xe5: {  	v51 =	vor.u32 $0x4, v22;
	v27 =	vadd.f32 v27, v33;
	[tilespmem:v58+s11+$0x0] =	vst.idx.add.f32.msk $0xffff, v28;
	v28 =	vmul.f32 v32, v32  }
0xe6: {  	v12 =	vmul.f32 v23, v12;
	v26 =	vmul.f32 v26, v26;
	v35 =	vadd.f32 v35, v59;
	v54 =	vld [tilespmem:s18+$0x0]  }
0xe7: {  	v50 =	vld [tilespmem:s18+$0xFFFFFFF0];
	v27 =	vmul.f32 v27, v27;
	v37 =	vadd.f32 v37, v8;
	v23 =	vadd.f32 v28, v53  }
0xe8: {  	v56 =	vld.idx.msk [tilespmem:v61+s1+$0x0], $0xffff;
	v36 =	vmul.f32 v36, v41;
	v40 =	vadd.f32 v52, v55;
	v57 =	vsub.f32 $1.000000000e+00, v63  }
0xe9: {  	v52 =	vor.u32 $0x2, v21;
	v27 =	vmul.f32 v27, v37;
	v28 =	vld.idx.msk [tilespmem:v61+s6+$0x0], $0xffff;
	v23 =	vadd.f32 v23, v8  }
0xea: {  	v39 =	vld.idx.msk [tilespmem:v51+s6+$0x0], $0xffff;
	v35 =	vmul.f32 v35, v35;
	v40 =	vadd.f32 v40, v8;
	v18 =	vmul.f32 v62, v30  }
0xeb: {  	v60 =	vld [tilespmem:s19+$0xFFFFFFE0];
	(erf) = vrcp.f32 v27;
	v59 =	vsub.f32 $1.000000000e+00, v54;
	v23 =	vmul.f32 v26, v23  }
0xec: {  	v58 =	vsub.f32 $1.000000000e+00, v50;
	v37 =	vld.idx.msk [tilespmem:v51+s1+$0x0], $0xffff;
	v27 =	vmul.f32 v35, v40;
	v26 =	vmul.f32 v57, v63  }
0xed: {  	v61 =	vor.u32 $0x2, v20;
	v45 =	vmul.f32 v59, v54;
	v63 =	vld [tilespmem:s19+$0xFFFFFFF0];
	(erf) = vrcp.f32 v23  }
0xee: {  	v20 =	vor.u32 $0x3, v20;
	v28 =	vmul.f32 v28, v56;
	(erf) = vrcp.f32 v27;
	v27 =	vld [tilespmem:s20+$0xFFFFFFF0]  }
0xef: {  	v56 =	vld [tilespmem:s20+$0x0];
	v23 =	vmul.f32 v58, v50;
	v26 =	vmul.f32 v26, v57  }
0xf0: {  	v55 =	vld [tilespmem:s19+$0x0];
	v53 =	vor.u32 $0x2, v22;
	v34 =	vmul.f32 v60, v34;
	v54 =	vmul.f32 v45, v59  }
0xf1: {  	v22 =	vor.u32 $0x3, v22;
	v62 =	vld.idx.msk [tilespmem:v52+s6+$0x0], $0xffff;
	v23 =	vmul.f32 v23, v58;
	v26 =	vmul.f32 v26, v57  }
0xf2: {  	v19 =	vsub.f32 v14, v19;
	v33 =	vmul.f32 v54, v59;
	v57 =	vld.idx.msk [tilespmem:v61+s1+$0x0], $0xffff;
	v14 =	vmul.f32 v63, v24  }
0xf3: {  	v21 =	vor.u32 $0x3, v21;
	v59 =	vld.idx.msk [tilespmem:v20+s1+$0x0], $0xffff;
	v23 =	vmul.f32 v23, v58;
	v25 =	vmul.f32 v27, v25  }
0xf4: {  	v24 =	vld.idx.msk [tilespmem:v61+s6+$0x0], $0xffff;
	v58 =	vmul.f32 v39, v37;
	v30 =	vmul.f32 v56, v32  }
0xf5: {  	v23 =	vmul.f32 v23, v28;
	v27 =	vld.idx.msk [tilespmem:v20+s6+$0x0], $0xffff;
	v20 =	vmul.f32 v55, v29;
	v28 =	vadd.f32 v25, v14  }
0xf6: {  	v60 =	vadd.f32 v18, v34;
	v35 =	vld.idx.msk [tilespmem:v22+s1+$0x0], $0xffff;
	v33 =	vmul.f32 v33, v36;
	v26 =	vmul.f32 v26, v58  }
0xf7: {  	v29 =	vld.idx.msk [tilespmem:v52+s1+$0x0], $0xffff;
	v14 =	vmul.f32 v31, v15;
	v20 =	vadd.f32 v30, v20;
	v28 =	vmul.f32 v23, v28  }
0xf8: {  	v17 =	vshll.u32 v17, $0x1;
	v61 =	vpop (erf);
	v25 =	vld.idx.msk [tilespmem:v21+s1+$0x0], $0xffff;
	v15 =	vmul.f32 v31, v19;
	v26 =	vmul.f32 v26, v60  }
0xf9: {  	v18 =	vshll.u32 v16, $0x1;
	v19 =	vpop (erf);
	v23 =	vld.idx.msk [tilespmem:v21+s6+$0x0], $0xffff;
	v31 =	vmul.f32 v33, v20;
	v28 =	vmul.f32 v28, v61  }
0xfa: {  	v16 =	vor.u32 $0x1, v13;
	v36 =	vld.idx.msk [tilespmem:v53+s6+$0x0], $0xffff;
	v63 =	vsub.f32 v57, v24;
	v21 =	vpop (erf);
	v20 =	vor.u32 $0x1, v18  }
0xfb: {  	v37 =	vld.idx.msk [tilespmem:v22+s6+$0x0], $0xffff;
	v21 =	vmul.f32 v26, v21;
	v31 =	vmul.f32 v31, v19;
	v24 =	vsub.f32 $0.0e+00, v28  }
0xfc: {  	v39 =	vld [tilespmem:s23+$0xFFFFFFE0];
	v26 =	vsub.f32 v59, v27;
	v40 =	vsub.f32 v29, v62;
	v19 =	vor.u32 $0x1, v17  }
0xfd: {  	s31 =	simm.s32 $0x80;
	s24 =	simm.s32 $0x4;
	v30 =	vld.idx.msk [tilespmem:v53+s1+$0x0], $0xffff;
	v28 =	vsub.f32 $0.0e+00, v21;
	v38 =	vsub.f32 $0.0e+00, v31;
	v21 =	vmul.f32 v24, v63  }
.LBB2_7:
0xfe: {  	v22 =	vmov s31;
	s15 =	sadd.s32 $0x10, s31;
	s22 =	sadd.s32 $0x20, s31;
	s26 =	sadd.s32 $0x30, s31;
	v24 =	vmul.f32 v24, v26;
	v41 =	vld [tilespmem:s23+$0xFFFFFFF0];
	v42 =	vsub.f32 v25, v23  }
0xff: {  	v23 =	vmov s15;
	v25 =	vmov s22;
	v26 =	vmov s26;
	v43 =	vld [tilespmem:s23+$0x0]  }
0x100: {  	v23 =	vshll.u32 v23, $0x3;
	v25 =	vshll.u32 v25, $0x3;
	v26 =	vshll.u32 v26, $0x3;
	[tilespmem:v18+s11+$0x0] =	vst.idx.add.f32.msk $0xffff, v9;
	v9 =	vmovc v21  }
0x101: {  	s24 =	sadd.s32 $0x4, s24;
	v18 =	vshll.u32 v22, $0x3;
	v44 =	vor.u32 v0, v23;
	v45 =	vor.u32 v0, v26;
	[tilespmem:v20+s11+$0x0] =	vst.idx.add.f32.msk $0xffff, v10  }
0x102: {  	p1 =	slt.u32 s24, $0x14;
	v34 =	vor.u32 v0, v18;
	v46 =	vor.u32 v0, v25;
	v20 =	vor.u32 $0x1, v44;
	[tilespmem:v17+s11+$0x0] =	vst.idx.add.f32.msk $0xffff, v11  }
0x103: {  	v10 =	vmovc v24;
	v47 =	vor.u32 $0x1, v34;
	v48 =	vor.u32 $0x1, v46;
	v11 =	vor.u32 $0x1, v45;
	[tilespmem:v19+s11+$0x0] =	vst.idx.add.f32.msk $0xffff, v12  }
0x104: {  	v32 =	vor.u32 $0x5, v34;
	v49 =	vor.u32 $0x5, v44;
	v33 =	vor.u32 $0x5, v46;
	[tilespmem:v13+s11+$0x0] =	vst.idx.add.f32.msk $0xffff, v14  }
0x105: {  	v27 =	vor.u32 $0x4, v34;
	v31 =	vor.u32 $0x4, v44;
	v29 =	vor.u32 $0x4, v46;
	[tilespmem:v16+s11+$0x0] =	vst.idx.add.f32.msk $0xffff, v15  }
0x106: {  	v26 =	vor.u32 $0x2, v44;
	v25 =	vor.u32 $0x3, v44;
	v23 =	vor.u32 $0x2, v46;
	v50 =	vld.idx.msk [tilespmem:v45+s1+$0x0], $0xffff  }
0x107: {  	v21 =	vor.u32 $0x2, v34;
	v24 =	vor.u32 $0x3, v46;
	v51 =	vor.u32 $0x5, v45;
	v52 =	vld.idx.msk [tilespmem:v45+s6+$0x0], $0xffff  }
0x108: {  	v22 =	vor.u32 $0x3, v34;
	v14 =	vsub.f32 v30, v36;
	v15 =	vsub.f32 v35, v37;
	v53 =	vld.idx.msk [tilespmem:v11+s1+$0x0], $0xffff  }
0x109: {  	v12 =	vmul.f32 v38, v42;
	v13 =	vshll.u32 v39, $0x1;
	v30 =	vld.idx.msk [tilespmem:v11+s6+$0x0], $0xffff;
	v11 =	vmul.f32 v38, v40  }
0x10a: {  	v18 =	vshll.u32 v41, $0x1;
	v14 =	vmul.f32 v28, v14;
	v15 =	vmul.f32 v28, v15;
	v35 =	vld.idx.msk [tilespmem:v20+s1+$0x0], $0xffff  }
0x10b: {  	v17 =	vshll.u32 v43, $0x1;
	v16 =	vor.u32 $0x1, v13;
	v28 =	vld.idx.msk [tilespmem:v20+s6+$0x0], $0xffff;
	v20 =	vor.u32 $0x1, v18  }
0x10c: {  	v19 =	vor.u32 $0x1, v17;
	v36 =	vld.idx.msk [tilespmem:v51+s1+$0x0], $0xffff  }
0x10d: {  	v37 =	vld.idx.msk [tilespmem:v51+s6+$0x0], $0xffff  }
0x10e: {  	v38 =	vld.idx.msk [tilespmem:v48+s1+$0x0], $0xffff  }
0x10f: {  	v40 =	vsub.f32 v52, v50;
	v41 =	vsub.f32 v30, v53;
	v39 =	vld.idx.msk [tilespmem:v48+s6+$0x0], $0xffff  }
0x110: {  	s18 =	sadd.s32 $0x40, s18;
	v43 =	vor.u32 $0x4, v45;
	v42 =	vld.idx.msk [tilespmem:v47+s1+$0x0], $0xffff  }
0x111: {  	v30 =	vmul.f32 v40, v40;
	v28 =	vsub.f32 v28, v35;
	v35 =	vmul.f32 v41, v41;
	v48 =	vld [tilespmem:s18+$0x10]  }
0x112: {  	v47 =	vld.idx.msk [tilespmem:v47+s6+$0x0], $0xffff  }
0x113: {  	v51 =	vmul.f32 v28, v28;
	v35 =	vadd.f32 v35, v30;
	v36 =	vadd.f32 v37, v36;
	v50 =	vld.idx.msk [tilespmem:v44+s1+$0x0], $0xffff  }
0x114: {  	v37 =	vld.idx.msk [tilespmem:v44+s6+$0x0], $0xffff  }
0x115: {  	v30 =	vsub.f32 v39, v38;
	v35 =	vadd.f32 v35, v8;
	v36 =	vmul.f32 v36, v36;
	v38 =	vld.idx.msk [tilespmem:v43+s1+$0x0], $0xffff  }
0x116: {  	s19 =	sadd.s32 $0x40, s19;
	v39 =	vld.idx.msk [tilespmem:v43+s6+$0x0], $0xffff;
	v43 =	vsub.f32 $1.000000000e+00, v48  }
0x117: {  	s20 =	sadd.s32 $0x40, s20;
	v44 =	vmul.f32 v30, v30;
	v36 =	vmul.f32 v36, v35;
	v52 =	vld [tilespmem:s19+$0x10]  }
0x118: {  	v35 =	vsub.f32 v47, v42;
	v42 =	vor.u32 $0x2, v45;
	v47 =	vld [tilespmem:s20+$0x10];
	v48 =	vmul.f32 v43, v48  }
0x119: {  	v45 =	vor.u32 $0x3, v45;
	v53 =	vld.idx.msk [tilespmem:v46+s1+$0x0], $0xffff;
	(erf) = vrcp.f32 v36  }
0x11a: {  	v36 =	vmul.f32 v35, v35;
	v37 =	vsub.f32 v37, v50;
	v46 =	vld.idx.msk [tilespmem:v46+s6+$0x0], $0xffff;
	v48 =	vmul.f32 v48, v43  }
0x11b: {  	s23 =	sadd.s32 $0x40, s23;
	v50 =	vld.idx.msk [tilespmem:v34+s1+$0x0], $0xffff  }
0x11c: {  	v38 =	vmul.f32 v39, v38;
	v43 =	vmul.f32 v48, v43;
	v39 =	vld [tilespmem:s23+$0x10]  }
0x11d: {  	v40 =	vmul.f32 v52, v40;
	v48 =	vld.idx.msk [tilespmem:v42+s1+$0x0], $0xffff;
	v41 =	vmul.f32 v47, v41  }
0x11e: {  	v47 =	vmul.f32 v37, v37;
	v52 =	vld.idx.msk [tilespmem:v45+s1+$0x0], $0xffff  }
0x11f: {  	v38 =	vmul.f32 v43, v38;
	v42 =	vld.idx.msk [tilespmem:v42+s6+$0x0], $0xffff;
	v40 =	vadd.f32 v41, v40  }
0x120: {  	v41 =	vadd.f32 v51, v47;
	v43 =	vsub.f32 v46, v53;
	v45 =	vld.idx.msk [tilespmem:v45+s6+$0x0], $0xffff  }
0x121: {  	v34 =	vld.idx.msk [tilespmem:v34+s6+$0x0], $0xffff;
	v38 =	vmul.f32 v38, v40  }
0x122: {  	v41 =	vadd.f32 v41, v8;
	v46 =	vmul.f32 v43, v43;
	v40 =	vld.idx.msk [tilespmem:v49+s1+$0x0], $0xffff;
	v47 =	vpop (erf)  }
0x123: {  	v49 =	vld.idx.msk [tilespmem:v49+s6+$0x0], $0xffff;
	v38 =	vmul.f32 v38, v47  }
0x124: {  	v39 =	vshll.u32 v39, $0x1;
	v44 =	vadd.f32 v44, v46;
	v47 =	vld.idx.msk [tilespmem:v33+s1+$0x0], $0xffff  }
0x125: {  	v46 =	vor.u32 $0x1, v39;
	v42 =	vsub.f32 v48, v42;
	v33 =	vld.idx.msk [tilespmem:v33+s6+$0x0], $0xffff;
	v38 =	vsub.f32 $0.0e+00, v38  }
0x126: {  	v44 =	vadd.f32 v44, v8;
	v45 =	vsub.f32 v52, v45;
	v48 =	vld.idx.msk [tilespmem:v32+s1+$0x0], $0xffff  }
0x127: {  	v34 =	vsub.f32 v34, v50;
	v32 =	vld.idx.msk [tilespmem:v32+s6+$0x0], $0xffff;
	v42 =	vmul.f32 v38, v42  }
0x128: {  	v38 =	vmul.f32 v38, v45;
	v50 =	vld [tilespmem:s18+$0xFFFFFFE0]  }
0x129: {  	v45 =	vmul.f32 v34, v34;
	v40 =	vadd.f32 v49, v40;
	[tilespmem:v39+s11+$0x0] =	vst.idx.add.f32.msk $0xffff, v42  }
0x12a: {  	[tilespmem:v46+s11+$0x0] =	vst.idx.add.f32.msk $0xffff, v38  }
0x12b: {  	v36 =	vadd.f32 v36, v45;
	v39 =	vmul.f32 v40, v40;
	v33 =	vadd.f32 v33, v47;
	v38 =	vld [tilespmem:s18+$0xFFFFFFF0]  }
0x12c: {  	v40 =	vld [tilespmem:s18+$0x0]  }
0x12d: {  	v36 =	vadd.f32 v36, v8;
	v32 =	vadd.f32 v32, v48;
	v33 =	vmul.f32 v33, v33;
	v42 =	vld.idx.msk [tilespmem:v31+s1+$0x0], $0xffff  }
0x12e: {  	v39 =	vmul.f32 v39, v41;
	v45 =	vsub.f32 $1.000000000e+00, v50;
	v31 =	vld.idx.msk [tilespmem:v31+s6+$0x0], $0xffff  }
0x12f: {  	v32 =	vmul.f32 v32, v32;
	v33 =	vmul.f32 v33, v44;
	v41 =	vld.idx.msk [tilespmem:v29+s1+$0x0], $0xffff  }
0x130: {  	v44 =	vmul.f32 v45, v50;
	v46 =	vsub.f32 $1.000000000e+00, v38;
	v29 =	vld.idx.msk [tilespmem:v29+s6+$0x0], $0xffff;
	(erf) = vrcp.f32 v39  }
0x131: {  	v32 =	vmul.f32 v32, v36;
	v39 =	vld.idx.msk [tilespmem:v27+s1+$0x0], $0xffff;
	v36 =	vsub.f32 $1.000000000e+00, v40;
	(erf) = vrcp.f32 v33  }
0x132: {  	v33 =	vmul.f32 v44, v45;
	v27 =	vld.idx.msk [tilespmem:v27+s6+$0x0], $0xffff;
	v38 =	vmul.f32 v46, v38  }
0x133: {  	v44 =	vld [tilespmem:s19+$0xFFFFFFE0];
	v40 =	vmul.f32 v36, v40;
	(erf) = vrcp.f32 v32  }
0x134: {  	v31 =	vmul.f32 v31, v42;
	v32 =	vld [tilespmem:s20+$0xFFFFFFE0];
	v38 =	vmul.f32 v38, v46  }
0x135: {  	v33 =	vmul.f32 v33, v45;
	v42 =	vld [tilespmem:s19+$0xFFFFFFF0];
	v40 =	vmul.f32 v40, v36  }
0x136: {  	v29 =	vmul.f32 v29, v41;
	v45 =	vld [tilespmem:s20+$0xFFFFFFF0];
	v38 =	vmul.f32 v38, v46  }
0x137: {  	v41 =	vld [tilespmem:s19+$0x0];
	v36 =	vmul.f32 v40, v36  }
0x138: {  	v27 =	vmul.f32 v27, v39;
	v34 =	vmul.f32 v44, v34;
	v39 =	vld [tilespmem:s20+$0x0]  }
0x139: {  	v31 =	vmul.f32 v38, v31;
	v32 =	vmul.f32 v32, v35;
	v40 =	vld.idx.msk [tilespmem:v26+s1+$0x0], $0xffff;
	v35 =	vpop (erf)  }
0x13a: {  	v29 =	vmul.f32 v36, v29;
	v38 =	vld.idx.msk [tilespmem:v25+s1+$0x0], $0xffff;
	v37 =	vmul.f32 v42, v37;
	v42 =	vpop (erf)  }
0x13b: {  	v27 =	vmul.f32 v33, v27;
	v32 =	vadd.f32 v32, v34;
	v26 =	vld.idx.msk [tilespmem:v26+s6+$0x0], $0xffff;
	v28 =	vmul.f32 v45, v28  }
0x13c: {  	v33 =	vld.idx.msk [tilespmem:v25+s6+$0x0], $0xffff;
	v34 =	vmul.f32 v41, v43;
	v36 =	vpop (erf)  }
0x13d: {  	v27 =	vmul.f32 v27, v32;
	v28 =	vadd.f32 v28, v37;
	v32 =	vld.idx.msk [tilespmem:v23+s1+$0x0], $0xffff;
	v30 =	vmul.f32 v39, v30  }
0x13e: {  	v25 =	vld.idx.msk [tilespmem:v24+s1+$0x0], $0xffff  }
0x13f: {  	v27 =	vmul.f32 v27, v36;
	v31 =	vmul.f32 v31, v28;
	v41 =	vld.idx.msk [tilespmem:v23+s6+$0x0], $0xffff;
	v34 =	vadd.f32 v30, v34  }
0x140: {  	v23 =	vld.idx.msk [tilespmem:v24+s6+$0x0], $0xffff  }
.Ltmp5:
0x141: {  	v30 =	vld.idx.msk [tilespmem:v21+s1+$0x0], $0xffff;
	v28 =	vsub.f32 $0.0e+00, v27;
	v24 =	vmul.f32 v31, v35;
	v27 =	vmul.f32 v29, v34;
	(pc) =	sbr.rel @p1 .LBB2_7-.Ltmp5, $4  }
0x142: {  	v29 =	vsub.f32 v40, v26;
	v26 =	vsub.f32 v38, v33;
	v35 =	vld.idx.msk [tilespmem:v22+s1+$0x0], $0xffff  }
0x143: {  	v36 =	vld.idx.msk [tilespmem:v21+s6+$0x0], $0xffff;
	v24 =	vsub.f32 $0.0e+00, v24;
	v27 =	vmul.f32 v27, v42  }
0x144: {  	v37 =	vld.idx.msk [tilespmem:v22+s6+$0x0], $0xffff  }
0x145: {  	s31 =	sadd.s32 $0x40, s31;
	v40 =	vsub.f32 v32, v41;
	v39 =	vld [tilespmem:s23+$0xFFFFFFE0];
	v21 =	vmul.f32 v24, v29;
	v38 =	vsub.f32 $0.0e+00, v27  }
0x146: {  	v22 =	vld [tilespmem:s23+$0xFFFFFFF0]  }
0x147: {  	v27 =	vld [tilespmem:s23+$0x0];
	_ =	sdelay $0x2  }
0x148: {  	[tilespmem:v18+s11+$0x0] =	vst.idx.add.f32.msk $0xffff, v9  }
0x149: {  	[tilespmem:v17+s11+$0x0] =	vst.idx.add.f32.msk $0xffff, v11;
	v9 =	vshll.u32 v22, $0x1  }
0x14a: {  	[tilespmem:v13+s11+$0x0] =	vst.idx.add.f32.msk $0xffff, v14;
	v11 =	vshll.u32 v27, $0x1  }
0x14b: {  	[tilespmem:v20+s11+$0x0] =	vst.idx.add.f32.msk $0xffff, v10;
	v10 =	vor.u32 $0x1, v9  }
0x14c: {  	[tilespmem:v19+s11+$0x0] =	vst.idx.add.f32.msk $0xffff, v12;
	v46 =	vor.u32 $0x1, v11  }
0x14d: {  	v48 =	vsub.f32 v25, v23;
	[tilespmem:v16+s11+$0x0] =	vst.idx.add.f32.msk $0xffff, v15;
	v51 =	vmul.f32 v38, v40;
	v49 =	vshll.u32 v39, $0x1  }
0x14e: {  	v47 =	vmul.f32 v24, v26;
	v50 =	vsub.f32 v30, v36;
	v52 =	vor.u32 $0x1, v49;
	[tilespmem:v9+s11+$0x0] =	vst.idx.add.f32.msk $0xffff, v21  }
0x14f: {  	v14 =	vmul.f32 v38, v48;
	v9 =	vsub.f32 v35, v37;
	[tilespmem:v11+s11+$0x0] =	vst.idx.add.f32.msk $0xffff, v51  }
0x150: {  	[tilespmem:v10+s11+$0x0] =	vst.idx.add.f32.msk $0xffff, v47;
	v10 =	vmul.f32 v28, v50  }
0x151: {  	[tilespmem:v46+s11+$0x0] =	vst.idx.add.f32.msk $0xffff, v14;
	v9 =	vmul.f32 v28, v9  }
0x152: {  	[tilespmem:v49+s11+$0x0] =	vst.idx.add.f32.msk $0xffff, v10  }
0x153: {  	[tilespmem:v52+s11+$0x0] =	vst.idx.add.f32.msk $0xffff, v9  }
0x154: {  	v9 =	vld.idx.msk [tilespmem:v2+s1+$0x0], $0xffff  }
0x155: {  	v10 =	vld.idx.msk [tilespmem:v3+s1+$0x0], $0xffff  }
0x156: {  	v11 =	vld.idx.msk [tilespmem:v2+s6+$0x0], $0xffff  }
0x157: {  	v12 =	vld.idx.msk [tilespmem:v3+s6+$0x0], $0xffff;
	_ =	sdelay $0x2  }
0x158: {  	v13 =	vld.idx.msk [tilespmem:v7+s1+$0x0], $0xffff  }
0x159: {  	v14 =	vld.idx.msk [tilespmem:v7+s6+$0x0], $0xffff  }
0x15a: {  	v9 =	vsub.f32 v11, v9;
	v10 =	vsub.f32 v12, v10;
	_ =	sdelay $0x1  }
0x15b: {  	v15 =	vld [tilespmem:$0x7C0];
	v11 =	vmul.f32 v9, v9;
	v12 =	vmul.f32 v10, v10;
	_ =	sdelay $0x1  }
0x15c: {  	v53 =	vadd.f32 v14, v13;
	v11 =	vadd.f32 v12, v11  }
0x15d: {  	v54 =	vld.idx.msk [tilespmem:v6+s1+$0x0], $0xffff  }
0x15e: {  	v55 =	vld [tilespmem:$0x4A0];
	v12 =	vmul.f32 v53, v53;
	v11 =	vadd.f32 v11, v8  }
0x15f: {  	v56 =	vld [tilespmem:$0x630];
	v57 =	vsub.f32 $1.000000000e+00, v15  }
0x160: {  	v58 =	vld.idx.msk [tilespmem:v6+s6+$0x0], $0xffff;
	v11 =	vmul.f32 v12, v11  }
0x161: {  	v15 =	vmul.f32 v57, v15  }
0x162: {  	(erf) = vrcp.f32 v11  }
0x163: {  	v11 =	vmul.f32 v15, v57  }
0x164: {  	v9 =	vmul.f32 v55, v9;
	v10 =	vmul.f32 v56, v10  }
0x165: {  	v12 =	vmul.f32 v58, v54;
	v11 =	vmul.f32 v11, v57  }
0x166: {  	v59 =	vld.idx.msk [tilespmem:v4+s1+$0x0], $0xffff  }
0x167: {  	v60 =	vld.idx.msk [tilespmem:v5+s1+$0x0], $0xffff;
	v9 =	vadd.f32 v10, v9;
	v10 =	vmul.f32 v11, v12  }
0x168: {  	v11 =	vld [tilespmem:$0x180]  }
0x169: {  	v61 =	vld.idx.msk [tilespmem:v4+s6+$0x0], $0xffff  }
0x16a: {  	v62 =	vld.idx.msk [tilespmem:v5+s6+$0x0], $0xffff;
	v9 =	vmul.f32 v10, v9  }
0x16b: {  	v10 =	vpop (erf)  }
0x16c: {  	v9 =	vmul.f32 v9, v10  }
0x16d: {  	v10 =	vshll.u32 v11, $0x1  }
0x16e: {  	p1 =	seq.s32 s17, $0x3E;
	v11 =	vsub.f32 v59, v61;
	v63 =	vor.u32 $0x1, v10;
	v9 =	vsub.f32 $0.0e+00, v9  }
.Ltmp6:
0x16f: {  	v13 =	vsub.f32 v60, v62;
	(pc) =	sbr.rel @p1 .LBB2_14-.Ltmp6, $4  }
0x170: {  	v11 =	vmul.f32 v9, v11  }
0x171: {  	v9 =	vmul.f32 v9, v13  }
0x172: {  	[tilespmem:v10+s11+$0x0] =	vst.idx.add.f32.msk $0xffff, v11  }
0x173: {  	[tilespmem:v63+s11+$0x0] =	vst.idx.add.f32.msk $0xffff, v9  }
0x174: {  	s18 =	smul.u32 $0x320, s17;
	_ =	sdelay $0x1  }
0x175: {  	s15 =	sadd.s32 s18, s21  }
0x176: {  	s15 =	sshrl.u32 s15, $0x3  }
0x177: {  	s19 =	sadd.s32 s2, s15  }
0x178: {  	[tilespmem:s7], [sflag:$0x1] =	stream.linear.gather [hbm4b:s19+s7], $0x190, $0x38;
	[tilespmem:$0x1C850] =	vst v63  }
0x179: {  	s24 =	sadd.s32 s3, s15  }
0x17a: {  	[tilespmem:s25], [sflag:$0x1] =	stream.linear.gather [hbm4b:s24+s7], $0x190, $0x38;
	[tilespmem:$0x1C850] =	vst v63  }
0x17b: {  	s26 =	sadd.s32 s9, s15  }
0x17c: {  	[tilespmem:s28], [sflag:$0x1] =	stream.linear.gather [hbm4b:s26+s7], $0x190, $0x38;
	[tilespmem:$0x1C850] =	vst v63  }
.Ltmp7:
0x17d: {  	_ = 	snop;
	(pc) =	sbr.rel @p0 .LBB2_13-.Ltmp7, $4  }
0x17e: {  	s20 =	simm.s32 $0x4B0;
	s31 =	sadd.s32 s10, s15  }
0x17f: {  	[tilespmem:s20], [sflag:$0x1] =	stream.linear.gather [hbm4b:s31+s7], $0x190, $0x38;
	[tilespmem:$0x1C850] =	vst v63  }
0x180: {  	s15 =	sadd.s32 s5, s15  }
0x181: {  	[tilespmem:s29], [sflag:$0x1] =	stream.linear.gather [hbm4b:s15+s7], $0x190, $0x38;
	[tilespmem:$0x1C850] =	vst v63  }
0x182: {  	_ =	swait.ge [sflag:s12], $0xC80  }
0x183: {  	[sflag:s12] =	ssyncset.done $0x0  }
0x184: {  	[sflag:s12] =	ssyncadd.s32 $0xFFFFF380  }
0x185: {  	_ =	swait.ge [sflag:s12], $0xC80  }
0x186: {  	[sflag:s12] =	ssyncset.done $0x0  }
0x187: {  	[sflag:s12] =	ssyncadd.s32 $0xFFFFF380  }
0x188: {  	_ =	swait.ge [sflag:s4], $0x190  }
0x189: {  	[sflag:s4] =	ssyncset.done $0x0  }
0x18a: {  	[sflag:s4] =	ssyncadd.s32 $0xFFFFFE70  }
0x18b: {  	_ =	swait.ge [sflag:s4], $0x190  }
0x18c: {  	[sflag:s4] =	ssyncset.done $0x0  }
0x18d: {  	[sflag:s4] =	ssyncadd.s32 $0xFFFFFE70  }
0x18e: {  	_ =	swait.ge [sflag:s4], $0x190  }
0x18f: {  	[sflag:s4] =	ssyncset.done $0x0  }
0x190: {  	[sflag:s4] =	ssyncadd.s32 $0xFFFFFE70  }
0x191: {  	_ =	swait.ge [sflag:s4], $0x190  }
0x192: {  	s15 =	simm.s32 $0x30;
	[sflag:s4] =	ssyncset.done $0x0  }
0x193: {  	v9 =	vmov s15;
	[sflag:s4] =	ssyncadd.s32 $0xFFFFFE70  }
0x194: {  	v9 =	vshll.u32 v9, $0x3;
	_ =	swait.ge [sflag:s4], $0x190  }
0x195: {  	s19 =	simm.s32 $0x10;
	v9 =	vor.u32 v0, v9;
	[sflag:s4] =	ssyncset.done $0x0  }
0x196: {  	s26 =	simm.s32 $0x0;
	v10 =	vmov s19;
	[sflag:s4] =	ssyncadd.s32 $0xFFFFFE70  }
0x197: {  	v10 =	vshll.u32 v10, $0x3;
	v11 =	vor.u32 $0x1, v9;
	[tilespmem:s1], [sflag:$0x3] =	stream.indirect.gather [hbm4b:s8+s25], $0x8, s26, s25, $0xb8;
	[tilespmem:$0x1C850] =	vst v63  }
0x198: {  	s28 =	simm.s32 $0x20;
	v10 =	vor.u32 v0, v10  }
0x199: {  	v12 =	vor.u32 $0x1, v10;
	[tilespmem:s6], [sflag:$0x3] =	stream.indirect.gather [hbm4b:s0+s25], $0x8, s25, s25, $0xb8;
	[tilespmem:$0x1C850] =	vst v63  }
0x19a: {  	v13 =	vmov s28;
	v14 =	vld.idx.msk [tilespmem:v9+s13+$0x0], $0xffff  }
0x19b: {  	v13 =	vshll.u32 v13, $0x3;
	v15 =	vor.u32 $0x5, v9;
	v16 =	vld.idx.msk [tilespmem:v9+s14+$0x0], $0xffff  }
0x19c: {  	v13 =	vor.u32 v0, v13;
	v18 =	vld.idx.msk [tilespmem:v11+s13+$0x0], $0xffff  }
0x19d: {  	v19 =	vor.u32 $0x1, v13;
	v11 =	vld.idx.msk [tilespmem:v11+s14+$0x0], $0xffff  }
0x19e: {  	v20 =	vld.idx.msk [tilespmem:v12+s13+$0x0], $0xffff  }
0x19f: {  	v12 =	vld.idx.msk [tilespmem:v12+s14+$0x0], $0xffff  }
0x1a0: {  	v22 =	vld.idx.msk [tilespmem:v15+s13+$0x0], $0xffff  }
0x1a1: {  	v15 =	vld.idx.msk [tilespmem:v15+s14+$0x0], $0xffff  }
0x1a2: {  	v17 =	vmov s26;
	v24 =	vld.idx.msk [tilespmem:v19+s13+$0x0], $0xffff  }
0x1a3: {  	s15 =	simm.s32 $0xE30;
	v17 =	vshll.u32 v17, $0x3;
	v19 =	vld.idx.msk [tilespmem:v19+s14+$0x0], $0xffff  }
0x1a4: {  	v17 =	vor.u32 v0, v17;
	v23 =	vld [tilespmem:s15+$0x10]  }
0x1a5: {  	s20 =	simm.s32 $0xB10;
	v28 =	vld.idx.msk [tilespmem:v10+s13+$0x0], $0xffff  }
0x1a6: {  	s23 =	simm.s32 $0xCA0;
	v29 =	vld [tilespmem:s20+$0x10]  }
0x1a7: {  	v30 =	vld [tilespmem:s23+$0x10]  }
0x1a8: {  	v31 =	vld.idx.msk [tilespmem:v13+s13+$0x0], $0xffff  }
0x1a9: {  	v32 =	vld.idx.msk [tilespmem:v17+s13+$0x0], $0xffff  }
0x1aa: {  	v34 =	vld.idx.msk [tilespmem:v17+s14+$0x0], $0xffff  }
0x1ab: {  	v37 =	vld [tilespmem:s15+$0xFFFFFFE0]  }
0x1ac: {  	v38 =	vld [tilespmem:s15+$0xFFFFFFF0]  }
0x1ad: {  	v21 =	vor.u32 $0x1, v17;
	v39 =	vld [tilespmem:s15+$0x0];
	v14 =	vsub.f32 v16, v14;
	v11 =	vsub.f32 v11, v18  }
0x1ae: {  	v46 =	vld [tilespmem:s20+$0xFFFFFFE0];
	v18 =	vor.u32 $0x4, v9  }
0x1af: {  	v47 =	vld [tilespmem:s23+$0xFFFFFFE0];
	v27 =	vsub.f32 $1.000000000e+00, v23;
	v25 =	vmul.f32 v14, v14;
	v26 =	vmul.f32 v11, v11  }
0x1b0: {  	v49 =	vld [tilespmem:s23+$0xFFFFFFF0]  }
0x1b1: {  	v50 =	vld [tilespmem:s20+$0x0];
	v15 =	vadd.f32 v15, v22;
	v23 =	vmul.f32 v27, v23;
	v25 =	vadd.f32 v26, v25  }
0x1b2: {  	v16 =	vld.idx.msk [tilespmem:v21+s13+$0x0], $0xffff;
	v11 =	vmul.f32 v30, v11;
	v30 =	vor.u32 $0x5, v13  }
0x1b3: {  	v15 =	vmul.f32 v15, v15;
	v23 =	vmul.f32 v23, v27;
	v26 =	vld.idx.msk [tilespmem:v18+s13+$0x0], $0xffff;
	v25 =	vadd.f32 v25, v8  }
0x1b4: {  	v18 =	vld.idx.msk [tilespmem:v18+s14+$0x0], $0xffff  }
0x1b5: {  	v21 =	vld.idx.msk [tilespmem:v21+s14+$0x0], $0xffff;
	v23 =	vmul.f32 v23, v27;
	v27 =	vor.u32 $0x5, v10;
	v15 =	vmul.f32 v15, v25  }
0x1b6: {  	v22 =	vld.idx.msk [tilespmem:v10+s14+$0x0], $0xffff;
	v25 =	vor.u32 $0x2, v9  }
0x1b7: {  	v36 =	vld.idx.msk [tilespmem:v30+s13+$0x0], $0xffff;
	v9 =	vor.u32 $0x3, v9;
	(erf) = vrcp.f32 v15  }
0x1b8: {  	s22 =	simm.s32 $0x7F0;
	v15 =	vld.idx.msk [tilespmem:v13+s14+$0x0], $0xffff  }
0x1b9: {  	v18 =	vmul.f32 v18, v26;
	v26 =	vld [tilespmem:s22+$0x10]  }
0x1ba: {  	v14 =	vmul.f32 v29, v14;
	v35 =	vld.idx.msk [tilespmem:v27+s14+$0x0], $0xffff  }
0x1bb: {  	v52 =	vsub.f32 v12, v20;
	v28 =	vsub.f32 v22, v28;
	v33 =	vld.idx.msk [tilespmem:v25+s13+$0x0], $0xffff  }
0x1bc: {  	v53 =	vsub.f32 v19, v24;
	v11 =	vadd.f32 v11, v14;
	v14 =	vmul.f32 v23, v18;
	v29 =	vld.idx.msk [tilespmem:v9+s13+$0x0], $0xffff  }
0x1bd: {  	v54 =	vsub.f32 v21, v16;
	v16 =	vmul.f32 v28, v28;
	v25 =	vld.idx.msk [tilespmem:v25+s14+$0x0], $0xffff;
	v31 =	vsub.f32 v15, v31  }
0x1be: {  	v18 =	vor.u32 $0x5, v17;
	v11 =	vmul.f32 v14, v11;
	v14 =	vld.idx.msk [tilespmem:v27+s13+$0x0], $0xffff;
	v15 =	vmul.f32 v52, v52  }
0x1bf: {  	v19 =	vmul.f32 v53, v53;
	v9 =	vld.idx.msk [tilespmem:v9+s14+$0x0], $0xffff;
	v20 =	vmul.f32 v31, v31  }
0x1c0: {  	v51 =	vor.u32 $0x2, v17;
	v27 =	vld [tilespmem:s23+$0x0];
	s23 =	simm.s32 $0x70;
	v15 =	vadd.f32 v15, v16;
	v23 =	vpop (erf)  }
0x1c1: {  	v30 =	vld.idx.msk [tilespmem:v30+s14+$0x0], $0xffff;
	v16 =	vadd.f32 v19, v20;
	v19 =	vmov s23;
	v11 =	vmul.f32 v11, v23  }
0x1c2: {  	v48 =	vld [tilespmem:s20+$0xFFFFFFF0];
	v25 =	vsub.f32 v33, v25;
	v23 =	vshll.u32 v26, $0x1;
	v19 =	vshll.u32 v19, $0x3  }
0x1c3: {  	s19 =	simm.s32 $0xE70;
	v61 =	vld.idx.msk [tilespmem:v18+s13+$0x0], $0xffff;
	v21 =	vadd.f32 v35, v14;
	v35 =	vor.u32 v0, v19;
	v11 =	vsub.f32 $0.0e+00, v11  }
0x1c4: {  	v31 =	vmul.f32 v50, v31;
	v50 =	vld [tilespmem:s19+$0xFFFFFFF0]  }
0x1c5: {  	v9 =	vsub.f32 v29, v9;
	v29 =	vld.idx.msk [tilespmem:v18+s14+$0x0], $0xffff;
	v26 =	vor.u32 $0x1, v23;
	v18 =	vmul.f32 v11, v25  }
0x1c6: {  	v30 =	vadd.f32 v30, v36;
	v22 =	vadd.f32 v15, v8;
	v15 =	vld.idx.msk [tilespmem:v51+s14+$0x0], $0xffff;
	v36 =	vor.u32 $0x1, v35  }
0x1c7: {  	[tilespmem:v23+s11+$0x0] =	vst.idx.add.f32.msk $0xffff, v18  }
0x1c8: {  	v32 =	vsub.f32 v34, v32;
	v34 =	vor.u32 $0x5, v35;
	v9 =	vmul.f32 v11, v9;
	v56 =	vld.idx.msk [tilespmem:v35+s13+$0x0], $0xffff  }
0x1c9: {  	v21 =	vmul.f32 v21, v21;
	v25 =	vor.u32 $0x4, v10;
	v57 =	vld.idx.msk [tilespmem:v35+s14+$0x0], $0xffff  }
0x1ca: {  	s26 =	simm.s32 $0x60;
	v30 =	vmul.f32 v30, v30;
	v62 =	vadd.f32 v16, v8;
	[tilespmem:v26+s11+$0x0] =	vst.idx.add.f32.msk $0xffff, v9  }
0x1cb: {  	s28 =	simm.s32 $0x40;
	v22 =	vmul.f32 v21, v22;
	v21 =	vmov s26;
	v11 =	vor.u32 $0x4, v13;
	v59 =	vld.idx.msk [tilespmem:v36+s13+$0x0], $0xffff  }
0x1cc: {  	v58 =	vmov s28;
	v21 =	vshll.u32 v21, $0x3;
	v36 =	vld.idx.msk [tilespmem:v36+s14+$0x0], $0xffff  }
0x1cd: {  	v58 =	vshll.u32 v58, $0x3;
	v30 =	vmul.f32 v30, v62;
	v21 =	vor.u32 v0, v21;
	v62 =	vld.idx.msk [tilespmem:v34+s13+$0x0], $0xffff  }
0x1ce: {  	(erf) = vrcp.f32 v22;
	v22 =	vor.u32 v0, v58;
	v40 =	vld.idx.msk [tilespmem:v25+s13+$0x0], $0xffff  }
0x1cf: {  	v18 =	vor.u32 $0x2, v13;
	v13 =	vor.u32 $0x3, v13;
	v41 =	vld.idx.msk [tilespmem:v25+s14+$0x0], $0xffff  }
0x1d0: {  	v49 =	vmul.f32 v49, v52;
	v28 =	vmul.f32 v48, v28;
	v42 =	vld.idx.msk [tilespmem:v11+s13+$0x0], $0xffff  }
0x1d1: {  	v43 =	vld.idx.msk [tilespmem:v11+s14+$0x0], $0xffff  }
0x1d2: {  	v28 =	vadd.f32 v49, v28;
	v33 =	vsub.f32 $1.000000000e+00, v37;
	v49 =	vld.idx.msk [tilespmem:v21+s14+$0x0], $0xffff  }
0x1d3: {  	v29 =	vadd.f32 v29, v61;
	v61 =	vor.u32 $0x1, v21;
	v52 =	vld.idx.msk [tilespmem:v22+s14+$0x0], $0xffff  }
0x1d4: {  	v37 =	vmul.f32 v33, v37;
	v9 =	vor.u32 $0x4, v17;
	v12 =	vld.idx.msk [tilespmem:v13+s13+$0x0], $0xffff  }
0x1d5: {  	v24 =	vld.idx.msk [tilespmem:v18+s14+$0x0], $0xffff  }
0x1d6: {  	v37 =	vmul.f32 v37, v33;
	v11 =	vor.u32 $0x2, v10;
	v26 =	vld.idx.msk [tilespmem:v13+s14+$0x0], $0xffff  }
0x1d7: {  	v10 =	vor.u32 $0x3, v10;
	v13 =	vld.idx.msk [tilespmem:v51+s13+$0x0], $0xffff  }
0x1d8: {  	v33 =	vmul.f32 v37, v33;
	v37 =	vld.idx.msk [tilespmem:v61+s14+$0x0], $0xffff  }
0x1d9: {  	v44 =	vld.idx.msk [tilespmem:v9+s13+$0x0], $0xffff  }
0x1da: {  	v45 =	vld.idx.msk [tilespmem:v9+s14+$0x0], $0xffff  }
0x1db: {  	v17 =	vor.u32 $0x3, v17;
	v23 =	vld.idx.msk [tilespmem:v11+s13+$0x0], $0xffff  }
0x1dc: {  	v9 =	vld.idx.msk [tilespmem:v10+s13+$0x0], $0xffff  }
0x1dd: {  	v25 =	vld.idx.msk [tilespmem:v11+s14+$0x0], $0xffff  }
0x1de: {  	v60 =	vsub.f32 $1.000000000e+00, v38;
	v20 =	vmul.f32 v32, v32;
	v11 =	vld.idx.msk [tilespmem:v10+s14+$0x0], $0xffff  }
0x1df: {  	(erf) = vrcp.f32 v30;
	v30 =	vor.u32 $0x1, v22;
	v10 =	vld.idx.msk [tilespmem:v18+s13+$0x0], $0xffff;
	v18 =	vmul.f32 v54, v54  }
0x1e0: {  	v38 =	vmul.f32 v60, v38;
	v14 =	vld.idx.msk [tilespmem:v17+s13+$0x0], $0xffff  }
0x1e1: {  	v19 =	vld.idx.msk [tilespmem:v17+s14+$0x0], $0xffff;
	v16 =	vadd.f32 v18, v20  }
0x1e2: {  	v63 =	vmul.f32 v38, v60;
	v36 =	vsub.f32 v36, v59;
	v59 =	vld [tilespmem:s19+$0x10]  }
0x1e3: {  	s24 =	simm.s32 $0x50;
	v29 =	vmul.f32 v29, v29;
	v38 =	vmul.f32 v41, v40;
	v40 =	vld.idx.msk [tilespmem:v61+s13+$0x0], $0xffff;
	v51 =	vadd.f32 v16, v8  }
0x1e4: {  	v58 =	vsub.f32 $1.000000000e+00, v39;
	v17 =	vmov s24;
	v41 =	vsub.f32 v57, v56;
	v56 =	vld.idx.msk [tilespmem:v30+s13+$0x0], $0xffff  }
0x1e5: {  	v17 =	vshll.u32 v17, $0x3;
	v30 =	vld.idx.msk [tilespmem:v30+s14+$0x0], $0xffff;
	v29 =	vmul.f32 v29, v51  }
0x1e6: {  	v39 =	vmul.f32 v58, v39;
	v18 =	vld [tilespmem:s22+$0xFFFFFFE0];
	v20 =	vor.u32 v0, v17  }
0x1e7: {  	v61 =	vmul.f32 v36, v36;
	(erf) = vrcp.f32 v29;
	v29 =	vld.idx.msk [tilespmem:v34+s14+$0x0], $0xffff  }
0x1e8: {  	s24 =	simm.s32 $0x830;
	v17 =	vld [tilespmem:s22+$0x0];
	v55 =	vor.u32 $0x1, v20;
	v34 =	vmul.f32 v63, v60;
	v60 =	vmul.f32 v41, v41  }
0x1e9: {  	s20 =	simm.s32 $0xB50;
	v44 =	vmul.f32 v45, v44;
	v45 =	vmul.f32 v47, v54;
	v54 =	vld [tilespmem:s24+$0x10]  }
0x1ea: {  	v39 =	vmul.f32 v39, v58;
	v57 =	vor.u32 $0x4, v35;
	v63 =	vadd.f32 v61, v60;
	v60 =	vld [tilespmem:s20+$0x10]  }
0x1eb: {  	v32 =	vmul.f32 v46, v32;
	v27 =	vmul.f32 v27, v53;
	v46 =	vld.idx.msk [tilespmem:v20+s13+$0x0], $0xffff  }
0x1ec: {  	v39 =	vmul.f32 v39, v58;
	v42 =	vmul.f32 v43, v42;
	v47 =	vld.idx.msk [tilespmem:v20+s14+$0x0], $0xffff;
	v29 =	vadd.f32 v29, v62  }
0x1ed: {  	s23 =	simm.s32 $0xCE0;
	v27 =	vadd.f32 v27, v31;
	v48 =	vor.u32 $0x4, v21;
	v51 =	vld.idx.msk [tilespmem:v55+s13+$0x0], $0xffff  }
0x1ee: {  	v39 =	vmul.f32 v39, v42;
	v61 =	vld [tilespmem:s23+$0x10];
	v43 =	vadd.f32 v63, v8;
	v29 =	vmul.f32 v29, v29  }
0x1ef: {  	v34 =	vmul.f32 v34, v38;
	v38 =	vld.idx.msk [tilespmem:v57+s13+$0x0], $0xffff;
	v41 =	vmul.f32 v60, v41;
	v60 =	vor.u32 $0x5, v21  }
0x1f0: {  	v12 =	vsub.f32 v12, v26;
	v58 =	vsub.f32 $1.000000000e+00, v59;
	v57 =	vld.idx.msk [tilespmem:v57+s14+$0x0], $0xffff;
	v29 =	vmul.f32 v29, v43  }
0x1f1: {  	v27 =	vmul.f32 v39, v27;
	v55 =	vld.idx.msk [tilespmem:v55+s14+$0x0], $0xffff;
	v28 =	vmul.f32 v34, v28;
	v43 =	vor.u32 $0x2, v35  }
0x1f2: {  	v34 =	vld.idx.msk [tilespmem:v22+s13+$0x0], $0xffff;
	v62 =	vmul.f32 v58, v59;
	v35 =	vor.u32 $0x3, v35;
	(erf) = vrcp.f32 v29  }
0x1f3: {  	v15 =	vsub.f32 v13, v15;
	v33 =	vmul.f32 v33, v44;
	v36 =	vmul.f32 v61, v36;
	v29 =	vld.idx.msk [tilespmem:v21+s13+$0x0], $0xffff  }
0x1f4: {  	v32 =	vadd.f32 v45, v32;
	v23 =	vsub.f32 v23, v25;
	v63 =	vmul.f32 v62, v58;
	v26 =	vld.idx.msk [tilespmem:v60+s13+$0x0], $0xffff  }
0x1f5: {  	v11 =	vsub.f32 v9, v11;
	v38 =	vmul.f32 v57, v38;
	v57 =	vpop (erf);
	v36 =	vadd.f32 v36, v41;
	v41 =	vld.idx.msk [tilespmem:v60+s14+$0x0], $0xffff  }
0x1f6: {  	v28 =	vmul.f32 v28, v57;
	v61 =	vpop (erf);
	v31 =	vmul.f32 v63, v58;
	v58 =	vor.u32 $0x5, v20;
	v59 =	vld.idx.msk [tilespmem:v43+s13+$0x0], $0xffff  }
0x1f7: {  	v24 =	vsub.f32 v10, v24;
	v30 =	vsub.f32 v30, v56;
	v27 =	vmul.f32 v27, v61;
	v39 =	vld.idx.msk [tilespmem:v35+s13+$0x0], $0xffff  }
0x1f8: {  	v63 =	vor.u32 $0x5, v22;
	v25 =	vsub.f32 $0.0e+00, v28;
	v31 =	vmul.f32 v31, v38;
	v43 =	vld.idx.msk [tilespmem:v43+s14+$0x0], $0xffff  }
0x1f9: {  	v32 =	vmul.f32 v33, v32;
	v54 =	vshll.u32 v54, $0x1;
	v61 =	vor.u32 $0x4, v20;
	v28 =	vld.idx.msk [tilespmem:v35+s14+$0x0], $0xffff  }
0x1fa: {  	v62 =	vpop (erf);
	v9 =	vmul.f32 v25, v23;
	v23 =	vsub.f32 $0.0e+00, v27;
	v31 =	vmul.f32 v31, v36;
	v36 =	vld.idx.msk [tilespmem:v48+s14+$0x0], $0xffff  }
0x1fb: {  	v34 =	vsub.f32 v52, v34;
	v10 =	vmul.f32 v25, v11;
	v25 =	vsub.f32 v55, v51;
	v33 =	vld.idx.msk [tilespmem:v58+s13+$0x0], $0xffff;
	v53 =	vpop (erf)  }
0x1fc: {  	v27 =	vld.idx.msk [tilespmem:v58+s14+$0x0], $0xffff;
	v11 =	vmul.f32 v23, v24;
	v24 =	vsub.f32 v47, v46;
	v31 =	vmul.f32 v31, v53  }
0x1fd: {  	v32 =	vmul.f32 v32, v62;
	v35 =	vld.idx.msk [tilespmem:v63+s14+$0x0], $0xffff;
	v26 =	vadd.f32 v41, v26;
	v57 =	vsub.f32 v59, v43  }
0x1fe: {  	v58 =	vor.u32 $0x1, v54;
	v41 =	vld.idx.msk [tilespmem:v48+s13+$0x0], $0xffff;
	v28 =	vsub.f32 v39, v28;
	v31 =	vsub.f32 $0.0e+00, v31  }
0x1ff: {  	v62 =	vmul.f32 v25, v25;
	v47 =	vmul.f32 v24, v24;
	v29 =	vsub.f32 v49, v29;
	v59 =	vld.idx.msk [tilespmem:v63+s13+$0x0], $0xffff  }
0x200: {  	v63 =	vld [tilespmem:s19+$0xFFFFFFE0];
	v60 =	vmul.f32 v31, v57;
	v28 =	vmul.f32 v31, v28;
	v31 =	vsub.f32 $0.0e+00, v32  }
0x201: {  	v52 =	vmul.f32 v30, v30;
	v32 =	vsub.f32 v37, v40;
	v37 =	vadd.f32 v62, v47;
	v62 =	vld [tilespmem:s23+$0xFFFFFFE0]  }
0x202: {  	v13 =	vshll.u32 v18, $0x1;
	v55 =	vmul.f32 v34, v34;
	v27 =	vadd.f32 v27, v33;
	[tilespmem:v54+s11+$0x0] =	vst.idx.add.f32.msk $0xffff, v60  }
0x203: {  	v51 =	vor.u32 $0x4, v22;
	v53 =	vmul.f32 v29, v29;
	[tilespmem:v58+s11+$0x0] =	vst.idx.add.f32.msk $0xffff, v28;
	v28 =	vmul.f32 v32, v32  }
0x204: {  	v12 =	vmul.f32 v23, v12;
	v26 =	vmul.f32 v26, v26;
	v35 =	vadd.f32 v35, v59;
	v54 =	vld [tilespmem:s19+$0x0]  }
0x205: {  	v16 =	vld [tilespmem:s22+$0xFFFFFFF0];
	v27 =	vmul.f32 v27, v27;
	v37 =	vadd.f32 v37, v8;
	v23 =	vadd.f32 v28, v53  }
0x206: {  	v56 =	vld.idx.msk [tilespmem:v61+s13+$0x0], $0xffff;
	v36 =	vmul.f32 v36, v41;
	v40 =	vadd.f32 v52, v55;
	v57 =	vsub.f32 $1.000000000e+00, v63  }
0x207: {  	v52 =	vor.u32 $0x2, v21;
	v27 =	vmul.f32 v27, v37;
	v28 =	vld.idx.msk [tilespmem:v61+s14+$0x0], $0xffff;
	v23 =	vadd.f32 v23, v8  }
0x208: {  	v39 =	vld.idx.msk [tilespmem:v51+s14+$0x0], $0xffff;
	v35 =	vmul.f32 v35, v35;
	v40 =	vadd.f32 v40, v8;
	v18 =	vmul.f32 v62, v30  }
0x209: {  	v60 =	vld [tilespmem:s20+$0xFFFFFFE0];
	(erf) = vrcp.f32 v27;
	v59 =	vsub.f32 $1.000000000e+00, v54;
	v23 =	vmul.f32 v26, v23  }
0x20a: {  	v58 =	vsub.f32 $1.000000000e+00, v50;
	v37 =	vld.idx.msk [tilespmem:v51+s13+$0x0], $0xffff;
	v27 =	vmul.f32 v35, v40;
	v26 =	vmul.f32 v57, v63  }
0x20b: {  	v61 =	vor.u32 $0x2, v20;
	v45 =	vmul.f32 v59, v54;
	v63 =	vld [tilespmem:s20+$0xFFFFFFF0];
	(erf) = vrcp.f32 v23  }
0x20c: {  	v20 =	vor.u32 $0x3, v20;
	v28 =	vmul.f32 v28, v56;
	(erf) = vrcp.f32 v27;
	v27 =	vld [tilespmem:s23+$0xFFFFFFF0]  }
0x20d: {  	v56 =	vld [tilespmem:s23+$0x0];
	v23 =	vmul.f32 v58, v50;
	v26 =	vmul.f32 v26, v57  }
0x20e: {  	v55 =	vld [tilespmem:s20+$0x0];
	v53 =	vor.u32 $0x2, v22;
	v34 =	vmul.f32 v60, v34;
	v54 =	vmul.f32 v45, v59  }
0x20f: {  	v22 =	vor.u32 $0x3, v22;
	v62 =	vld.idx.msk [tilespmem:v52+s14+$0x0], $0xffff;
	v23 =	vmul.f32 v23, v58;
	v26 =	vmul.f32 v26, v57  }
0x210: {  	v19 =	vsub.f32 v14, v19;
	v33 =	vmul.f32 v54, v59;
	v57 =	vld.idx.msk [tilespmem:v61+s13+$0x0], $0xffff;
	v14 =	vmul.f32 v63, v24  }
0x211: {  	v21 =	vor.u32 $0x3, v21;
	v59 =	vld.idx.msk [tilespmem:v20+s13+$0x0], $0xffff;
	v23 =	vmul.f32 v23, v58;
	v25 =	vmul.f32 v27, v25  }
0x212: {  	v24 =	vld.idx.msk [tilespmem:v61+s14+$0x0], $0xffff;
	v58 =	vmul.f32 v39, v37;
	v30 =	vmul.f32 v56, v32  }
0x213: {  	v23 =	vmul.f32 v23, v28;
	v27 =	vld.idx.msk [tilespmem:v20+s14+$0x0], $0xffff;
	v20 =	vmul.f32 v55, v29;
	v28 =	vadd.f32 v25, v14  }
0x214: {  	v60 =	vadd.f32 v18, v34;
	v35 =	vld.idx.msk [tilespmem:v22+s13+$0x0], $0xffff;
	v33 =	vmul.f32 v33, v36;
	v26 =	vmul.f32 v26, v58  }
0x215: {  	v29 =	vld.idx.msk [tilespmem:v52+s13+$0x0], $0xffff;
	v14 =	vmul.f32 v31, v15;
	v20 =	vadd.f32 v30, v20;
	v28 =	vmul.f32 v23, v28  }
0x216: {  	v17 =	vshll.u32 v17, $0x1;
	v61 =	vpop (erf);
	v25 =	vld.idx.msk [tilespmem:v21+s13+$0x0], $0xffff;
	v15 =	vmul.f32 v31, v19;
	v26 =	vmul.f32 v26, v60  }
0x217: {  	v18 =	vshll.u32 v16, $0x1;
	v19 =	vpop (erf);
	v23 =	vld.idx.msk [tilespmem:v21+s14+$0x0], $0xffff;
	v31 =	vmul.f32 v33, v20;
	v28 =	vmul.f32 v28, v61  }
0x218: {  	v16 =	vor.u32 $0x1, v13;
	v36 =	vld.idx.msk [tilespmem:v53+s14+$0x0], $0xffff;
	v63 =	vsub.f32 v57, v24;
	v21 =	vpop (erf);
	v20 =	vor.u32 $0x1, v18  }
0x219: {  	v37 =	vld.idx.msk [tilespmem:v22+s14+$0x0], $0xffff;
	v21 =	vmul.f32 v26, v21;
	v31 =	vmul.f32 v31, v19;
	v24 =	vsub.f32 $0.0e+00, v28  }
0x21a: {  	v39 =	vld [tilespmem:s24+$0xFFFFFFE0];
	v26 =	vsub.f32 v59, v27;
	v40 =	vsub.f32 v29, v62;
	v19 =	vor.u32 $0x1, v17  }
0x21b: {  	s31 =	simm.s32 $0x4;
	s15 =	simm.s32 $0x80;
	v30 =	vld.idx.msk [tilespmem:v53+s13+$0x0], $0xffff;
	v28 =	vsub.f32 $0.0e+00, v21;
	v38 =	vsub.f32 $0.0e+00, v31;
	v21 =	vmul.f32 v24, v63  }
.LBB2_11:
0x21c: {  	v22 =	vmov s15;
	s22 =	sadd.s32 $0x10, s15;
	s26 =	sadd.s32 $0x20, s15;
	s28 =	sadd.s32 $0x30, s15;
	v24 =	vmul.f32 v24, v26;
	v41 =	vld [tilespmem:s24+$0xFFFFFFF0];
	v42 =	vsub.f32 v25, v23  }
0x21d: {  	v23 =	vmov s22;
	v25 =	vmov s26;
	v26 =	vmov s28;
	v43 =	vld [tilespmem:s24+$0x0]  }
0x21e: {  	v23 =	vshll.u32 v23, $0x3;
	v25 =	vshll.u32 v25, $0x3;
	v26 =	vshll.u32 v26, $0x3;
	[tilespmem:v18+s11+$0x0] =	vst.idx.add.f32.msk $0xffff, v9;
	v9 =	vmovc v21  }
0x21f: {  	s31 =	sadd.s32 $0x4, s31;
	v18 =	vshll.u32 v22, $0x3;
	v44 =	vor.u32 v0, v23;
	v45 =	vor.u32 v0, v26;
	[tilespmem:v20+s11+$0x0] =	vst.idx.add.f32.msk $0xffff, v10  }
0x220: {  	p0 =	slt.u32 s31, $0x14;
	v34 =	vor.u32 v0, v18;
	v46 =	vor.u32 v0, v25;
	v20 =	vor.u32 $0x1, v44;
	[tilespmem:v17+s11+$0x0] =	vst.idx.add.f32.msk $0xffff, v11  }
0x221: {  	v10 =	vmovc v24;
	v47 =	vor.u32 $0x1, v34;
	v48 =	vor.u32 $0x1, v46;
	v11 =	vor.u32 $0x1, v45;
	[tilespmem:v19+s11+$0x0] =	vst.idx.add.f32.msk $0xffff, v12  }
0x222: {  	v32 =	vor.u32 $0x5, v34;
	v49 =	vor.u32 $0x5, v44;
	v33 =	vor.u32 $0x5, v46;
	[tilespmem:v13+s11+$0x0] =	vst.idx.add.f32.msk $0xffff, v14  }
0x223: {  	v27 =	vor.u32 $0x4, v34;
	v31 =	vor.u32 $0x4, v44;
	v29 =	vor.u32 $0x4, v46;
	[tilespmem:v16+s11+$0x0] =	vst.idx.add.f32.msk $0xffff, v15  }
0x224: {  	v26 =	vor.u32 $0x2, v44;
	v25 =	vor.u32 $0x3, v44;
	v23 =	vor.u32 $0x2, v46;
	v50 =	vld.idx.msk [tilespmem:v45+s13+$0x0], $0xffff  }
0x225: {  	v21 =	vor.u32 $0x2, v34;
	v24 =	vor.u32 $0x3, v46;
	v51 =	vor.u32 $0x5, v45;
	v52 =	vld.idx.msk [tilespmem:v45+s14+$0x0], $0xffff  }
0x226: {  	v22 =	vor.u32 $0x3, v34;
	v14 =	vsub.f32 v30, v36;
	v15 =	vsub.f32 v35, v37;
	v53 =	vld.idx.msk [tilespmem:v11+s13+$0x0], $0xffff  }
0x227: {  	v12 =	vmul.f32 v38, v42;
	v13 =	vshll.u32 v39, $0x1;
	v30 =	vld.idx.msk [tilespmem:v11+s14+$0x0], $0xffff;
	v11 =	vmul.f32 v38, v40  }
0x228: {  	v18 =	vshll.u32 v41, $0x1;
	v14 =	vmul.f32 v28, v14;
	v15 =	vmul.f32 v28, v15;
	v35 =	vld.idx.msk [tilespmem:v20+s13+$0x0], $0xffff  }
0x229: {  	v17 =	vshll.u32 v43, $0x1;
	v16 =	vor.u32 $0x1, v13;
	v28 =	vld.idx.msk [tilespmem:v20+s14+$0x0], $0xffff;
	v20 =	vor.u32 $0x1, v18  }
0x22a: {  	v19 =	vor.u32 $0x1, v17;
	v36 =	vld.idx.msk [tilespmem:v51+s13+$0x0], $0xffff  }
0x22b: {  	v37 =	vld.idx.msk [tilespmem:v51+s14+$0x0], $0xffff  }
0x22c: {  	v38 =	vld.idx.msk [tilespmem:v48+s13+$0x0], $0xffff  }
0x22d: {  	v40 =	vsub.f32 v52, v50;
	v41 =	vsub.f32 v30, v53;
	v39 =	vld.idx.msk [tilespmem:v48+s14+$0x0], $0xffff  }
0x22e: {  	s19 =	sadd.s32 $0x40, s19;
	v43 =	vor.u32 $0x4, v45;
	v42 =	vld.idx.msk [tilespmem:v47+s13+$0x0], $0xffff  }
0x22f: {  	v30 =	vmul.f32 v40, v40;
	v28 =	vsub.f32 v28, v35;
	v35 =	vmul.f32 v41, v41;
	v48 =	vld [tilespmem:s19+$0x10]  }
0x230: {  	v47 =	vld.idx.msk [tilespmem:v47+s14+$0x0], $0xffff  }
0x231: {  	v51 =	vmul.f32 v28, v28;
	v35 =	vadd.f32 v35, v30;
	v36 =	vadd.f32 v37, v36;
	v50 =	vld.idx.msk [tilespmem:v44+s13+$0x0], $0xffff  }
0x232: {  	v37 =	vld.idx.msk [tilespmem:v44+s14+$0x0], $0xffff  }
0x233: {  	v30 =	vsub.f32 v39, v38;
	v35 =	vadd.f32 v35, v8;
	v36 =	vmul.f32 v36, v36;
	v38 =	vld.idx.msk [tilespmem:v43+s13+$0x0], $0xffff  }
0x234: {  	s20 =	sadd.s32 $0x40, s20;
	v39 =	vld.idx.msk [tilespmem:v43+s14+$0x0], $0xffff;
	v43 =	vsub.f32 $1.000000000e+00, v48  }
0x235: {  	s23 =	sadd.s32 $0x40, s23;
	v44 =	vmul.f32 v30, v30;
	v36 =	vmul.f32 v36, v35;
	v52 =	vld [tilespmem:s20+$0x10]  }
0x236: {  	v35 =	vsub.f32 v47, v42;
	v42 =	vor.u32 $0x2, v45;
	v47 =	vld [tilespmem:s23+$0x10];
	v48 =	vmul.f32 v43, v48  }
0x237: {  	v45 =	vor.u32 $0x3, v45;
	v53 =	vld.idx.msk [tilespmem:v46+s13+$0x0], $0xffff;
	(erf) = vrcp.f32 v36  }
0x238: {  	v36 =	vmul.f32 v35, v35;
	v37 =	vsub.f32 v37, v50;
	v46 =	vld.idx.msk [tilespmem:v46+s14+$0x0], $0xffff;
	v48 =	vmul.f32 v48, v43  }
0x239: {  	s24 =	sadd.s32 $0x40, s24;
	v50 =	vld.idx.msk [tilespmem:v34+s13+$0x0], $0xffff  }
0x23a: {  	v38 =	vmul.f32 v39, v38;
	v43 =	vmul.f32 v48, v43;
	v39 =	vld [tilespmem:s24+$0x10]  }
0x23b: {  	v40 =	vmul.f32 v52, v40;
	v48 =	vld.idx.msk [tilespmem:v42+s13+$0x0], $0xffff;
	v41 =	vmul.f32 v47, v41  }
0x23c: {  	v47 =	vmul.f32 v37, v37;
	v52 =	vld.idx.msk [tilespmem:v45+s13+$0x0], $0xffff  }
0x23d: {  	v38 =	vmul.f32 v43, v38;
	v42 =	vld.idx.msk [tilespmem:v42+s14+$0x0], $0xffff;
	v40 =	vadd.f32 v41, v40  }
0x23e: {  	v41 =	vadd.f32 v51, v47;
	v43 =	vsub.f32 v46, v53;
	v45 =	vld.idx.msk [tilespmem:v45+s14+$0x0], $0xffff  }
0x23f: {  	v34 =	vld.idx.msk [tilespmem:v34+s14+$0x0], $0xffff;
	v38 =	vmul.f32 v38, v40  }
0x240: {  	v41 =	vadd.f32 v41, v8;
	v46 =	vmul.f32 v43, v43;
	v40 =	vld.idx.msk [tilespmem:v49+s13+$0x0], $0xffff;
	v47 =	vpop (erf)  }
0x241: {  	v49 =	vld.idx.msk [tilespmem:v49+s14+$0x0], $0xffff;
	v38 =	vmul.f32 v38, v47  }
0x242: {  	v39 =	vshll.u32 v39, $0x1;
	v44 =	vadd.f32 v44, v46;
	v47 =	vld.idx.msk [tilespmem:v33+s13+$0x0], $0xffff  }
0x243: {  	v46 =	vor.u32 $0x1, v39;
	v42 =	vsub.f32 v48, v42;
	v33 =	vld.idx.msk [tilespmem:v33+s14+$0x0], $0xffff;
	v38 =	vsub.f32 $0.0e+00, v38  }
0x244: {  	v44 =	vadd.f32 v44, v8;
	v45 =	vsub.f32 v52, v45;
	v48 =	vld.idx.msk [tilespmem:v32+s13+$0x0], $0xffff  }
0x245: {  	v34 =	vsub.f32 v34, v50;
	v32 =	vld.idx.msk [tilespmem:v32+s14+$0x0], $0xffff;
	v42 =	vmul.f32 v38, v42  }
0x246: {  	v38 =	vmul.f32 v38, v45;
	v50 =	vld [tilespmem:s19+$0xFFFFFFE0]  }
0x247: {  	v45 =	vmul.f32 v34, v34;
	v40 =	vadd.f32 v49, v40;
	[tilespmem:v39+s11+$0x0] =	vst.idx.add.f32.msk $0xffff, v42  }
0x248: {  	[tilespmem:v46+s11+$0x0] =	vst.idx.add.f32.msk $0xffff, v38  }
0x249: {  	v36 =	vadd.f32 v36, v45;
	v39 =	vmul.f32 v40, v40;
	v33 =	vadd.f32 v33, v47;
	v38 =	vld [tilespmem:s19+$0xFFFFFFF0]  }
0x24a: {  	v40 =	vld [tilespmem:s19+$0x0]  }
0x24b: {  	v36 =	vadd.f32 v36, v8;
	v32 =	vadd.f32 v32, v48;
	v33 =	vmul.f32 v33, v33;
	v42 =	vld.idx.msk [tilespmem:v31+s13+$0x0], $0xffff  }
0x24c: {  	v39 =	vmul.f32 v39, v41;
	v45 =	vsub.f32 $1.000000000e+00, v50;
	v31 =	vld.idx.msk [tilespmem:v31+s14+$0x0], $0xffff  }
0x24d: {  	v32 =	vmul.f32 v32, v32;
	v33 =	vmul.f32 v33, v44;
	v41 =	vld.idx.msk [tilespmem:v29+s13+$0x0], $0xffff  }
0x24e: {  	v44 =	vmul.f32 v45, v50;
	v46 =	vsub.f32 $1.000000000e+00, v38;
	v29 =	vld.idx.msk [tilespmem:v29+s14+$0x0], $0xffff;
	(erf) = vrcp.f32 v39  }
0x24f: {  	v32 =	vmul.f32 v32, v36;
	v39 =	vld.idx.msk [tilespmem:v27+s13+$0x0], $0xffff;
	v36 =	vsub.f32 $1.000000000e+00, v40;
	(erf) = vrcp.f32 v33  }
0x250: {  	v33 =	vmul.f32 v44, v45;
	v27 =	vld.idx.msk [tilespmem:v27+s14+$0x0], $0xffff;
	v38 =	vmul.f32 v46, v38  }
0x251: {  	v44 =	vld [tilespmem:s20+$0xFFFFFFE0];
	v40 =	vmul.f32 v36, v40;
	(erf) = vrcp.f32 v32  }
0x252: {  	v31 =	vmul.f32 v31, v42;
	v32 =	vld [tilespmem:s23+$0xFFFFFFE0];
	v38 =	vmul.f32 v38, v46  }
0x253: {  	v33 =	vmul.f32 v33, v45;
	v42 =	vld [tilespmem:s20+$0xFFFFFFF0];
	v40 =	vmul.f32 v40, v36  }
0x254: {  	v29 =	vmul.f32 v29, v41;
	v45 =	vld [tilespmem:s23+$0xFFFFFFF0];
	v38 =	vmul.f32 v38, v46  }
0x255: {  	v41 =	vld [tilespmem:s20+$0x0];
	v36 =	vmul.f32 v40, v36  }
0x256: {  	v27 =	vmul.f32 v27, v39;
	v34 =	vmul.f32 v44, v34;
	v39 =	vld [tilespmem:s23+$0x0]  }
0x257: {  	v31 =	vmul.f32 v38, v31;
	v32 =	vmul.f32 v32, v35;
	v40 =	vld.idx.msk [tilespmem:v26+s13+$0x0], $0xffff;
	v35 =	vpop (erf)  }
0x258: {  	v29 =	vmul.f32 v36, v29;
	v38 =	vld.idx.msk [tilespmem:v25+s13+$0x0], $0xffff;
	v37 =	vmul.f32 v42, v37;
	v42 =	vpop (erf)  }
0x259: {  	v27 =	vmul.f32 v33, v27;
	v32 =	vadd.f32 v32, v34;
	v26 =	vld.idx.msk [tilespmem:v26+s14+$0x0], $0xffff;
	v28 =	vmul.f32 v45, v28  }
0x25a: {  	v33 =	vld.idx.msk [tilespmem:v25+s14+$0x0], $0xffff;
	v34 =	vmul.f32 v41, v43;
	v36 =	vpop (erf)  }
0x25b: {  	v27 =	vmul.f32 v27, v32;
	v28 =	vadd.f32 v28, v37;
	v32 =	vld.idx.msk [tilespmem:v23+s13+$0x0], $0xffff;
	v30 =	vmul.f32 v39, v30  }
0x25c: {  	v25 =	vld.idx.msk [tilespmem:v24+s13+$0x0], $0xffff  }
0x25d: {  	v27 =	vmul.f32 v27, v36;
	v31 =	vmul.f32 v31, v28;
	v41 =	vld.idx.msk [tilespmem:v23+s14+$0x0], $0xffff;
	v34 =	vadd.f32 v30, v34  }
0x25e: {  	v23 =	vld.idx.msk [tilespmem:v24+s14+$0x0], $0xffff  }
.Ltmp8:
0x25f: {  	v30 =	vld.idx.msk [tilespmem:v21+s13+$0x0], $0xffff;
	v28 =	vsub.f32 $0.0e+00, v27;
	v24 =	vmul.f32 v31, v35;
	v27 =	vmul.f32 v29, v34;
	(pc) =	sbr.rel @p0 .LBB2_11-.Ltmp8, $4  }
0x260: {  	v29 =	vsub.f32 v40, v26;
	v26 =	vsub.f32 v38, v33;
	v35 =	vld.idx.msk [tilespmem:v22+s13+$0x0], $0xffff  }
0x261: {  	v36 =	vld.idx.msk [tilespmem:v21+s14+$0x0], $0xffff;
	v24 =	vsub.f32 $0.0e+00, v24;
	v27 =	vmul.f32 v27, v42  }
0x262: {  	v37 =	vld.idx.msk [tilespmem:v22+s14+$0x0], $0xffff  }
0x263: {  	s15 =	sadd.s32 $0x40, s15;
	v40 =	vsub.f32 v32, v41;
	v39 =	vld [tilespmem:s24+$0xFFFFFFE0];
	v21 =	vmul.f32 v24, v29;
	v38 =	vsub.f32 $0.0e+00, v27  }
0x264: {  	v22 =	vld [tilespmem:s24+$0xFFFFFFF0]  }
0x265: {  	v27 =	vld [tilespmem:s24+$0x0];
	_ =	sdelay $0x2  }
0x266: {  	[tilespmem:v18+s11+$0x0] =	vst.idx.add.f32.msk $0xffff, v9  }
0x267: {  	[tilespmem:v17+s11+$0x0] =	vst.idx.add.f32.msk $0xffff, v11;
	v9 =	vshll.u32 v22, $0x1  }
0x268: {  	[tilespmem:v13+s11+$0x0] =	vst.idx.add.f32.msk $0xffff, v14;
	v11 =	vshll.u32 v27, $0x1  }
0x269: {  	[tilespmem:v20+s11+$0x0] =	vst.idx.add.f32.msk $0xffff, v10;
	v10 =	vor.u32 $0x1, v9  }
0x26a: {  	[tilespmem:v19+s11+$0x0] =	vst.idx.add.f32.msk $0xffff, v12;
	v46 =	vor.u32 $0x1, v11  }
0x26b: {  	v48 =	vsub.f32 v25, v23;
	[tilespmem:v16+s11+$0x0] =	vst.idx.add.f32.msk $0xffff, v15;
	v51 =	vmul.f32 v38, v40;
	v49 =	vshll.u32 v39, $0x1  }
0x26c: {  	v47 =	vmul.f32 v24, v26;
	v50 =	vsub.f32 v30, v36;
	v52 =	vor.u32 $0x1, v49;
	[tilespmem:v9+s11+$0x0] =	vst.idx.add.f32.msk $0xffff, v21  }
0x26d: {  	v14 =	vmul.f32 v38, v48;
	v9 =	vsub.f32 v35, v37;
	[tilespmem:v11+s11+$0x0] =	vst.idx.add.f32.msk $0xffff, v51  }
0x26e: {  	[tilespmem:v10+s11+$0x0] =	vst.idx.add.f32.msk $0xffff, v47;
	v10 =	vmul.f32 v28, v50  }
0x26f: {  	[tilespmem:v46+s11+$0x0] =	vst.idx.add.f32.msk $0xffff, v14;
	v9 =	vmul.f32 v28, v9  }
0x270: {  	[tilespmem:v49+s11+$0x0] =	vst.idx.add.f32.msk $0xffff, v10  }
0x271: {  	[tilespmem:v52+s11+$0x0] =	vst.idx.add.f32.msk $0xffff, v9  }
0x272: {  	v9 =	vld.idx.msk [tilespmem:v2+s13+$0x0], $0xffff  }
0x273: {  	v10 =	vld.idx.msk [tilespmem:v3+s13+$0x0], $0xffff  }
0x274: {  	v11 =	vld.idx.msk [tilespmem:v2+s14+$0x0], $0xffff  }
0x275: {  	v12 =	vld.idx.msk [tilespmem:v3+s14+$0x0], $0xffff;
	_ =	sdelay $0x2  }
0x276: {  	v13 =	vld.idx.msk [tilespmem:v7+s13+$0x0], $0xffff  }
0x277: {  	v14 =	vld.idx.msk [tilespmem:v7+s14+$0x0], $0xffff  }
0x278: {  	v9 =	vsub.f32 v11, v9;
	v10 =	vsub.f32 v12, v10;
	_ =	sdelay $0x1  }
0x279: {  	v15 =	vld [tilespmem:$0xF90];
	v11 =	vmul.f32 v9, v9;
	v12 =	vmul.f32 v10, v10;
	_ =	sdelay $0x1  }
0x27a: {  	v53 =	vadd.f32 v14, v13;
	v11 =	vadd.f32 v12, v11  }
0x27b: {  	v54 =	vld.idx.msk [tilespmem:v6+s13+$0x0], $0xffff  }
0x27c: {  	v55 =	vld [tilespmem:$0xC70];
	v12 =	vmul.f32 v53, v53;
	v11 =	vadd.f32 v11, v8  }
0x27d: {  	v56 =	vld [tilespmem:$0xE00];
	v57 =	vsub.f32 $1.000000000e+00, v15  }
0x27e: {  	v58 =	vld.idx.msk [tilespmem:v6+s14+$0x0], $0xffff;
	v11 =	vmul.f32 v12, v11  }
0x27f: {  	v15 =	vmul.f32 v57, v15  }
0x280: {  	(erf) = vrcp.f32 v11  }
0x281: {  	v11 =	vmul.f32 v15, v57  }
0x282: {  	v9 =	vmul.f32 v55, v9;
	v10 =	vmul.f32 v56, v10  }
0x283: {  	v12 =	vmul.f32 v58, v54;
	v11 =	vmul.f32 v11, v57  }
0x284: {  	v59 =	vld.idx.msk [tilespmem:v4+s13+$0x0], $0xffff  }
0x285: {  	v60 =	vld.idx.msk [tilespmem:v5+s13+$0x0], $0xffff;
	v9 =	vadd.f32 v10, v9;
	v10 =	vmul.f32 v11, v12  }
0x286: {  	v11 =	vld [tilespmem:$0x950]  }
0x287: {  	v61 =	vld.idx.msk [tilespmem:v4+s14+$0x0], $0xffff  }
0x288: {  	v62 =	vld.idx.msk [tilespmem:v5+s14+$0x0], $0xffff;
	v9 =	vmul.f32 v10, v9  }
0x289: {  	v10 =	vpop (erf)  }
0x28a: {  	v9 =	vmul.f32 v9, v10  }
0x28b: {  	v10 =	vshll.u32 v11, $0x1  }
0x28c: {  	v11 =	vsub.f32 v59, v61;
	v63 =	vor.u32 $0x1, v10;
	v9 =	vsub.f32 $0.0e+00, v9  }
0x28d: {  	v13 =	vsub.f32 v60, v62  }
0x28e: {  	p0 =	seq.s32 s17, $0x3D;
	s15 =	rddreg [dreg:$0x10];
	v11 =	vmul.f32 v9, v11  }
0x28f: {  	s15 =	sadd.s32 @!p0 s18, s15;
	v9 =	vmul.f32 v9, v13  }
0x290: {  	s15 =	sshrl.u32 @!p0 s15, $0x3;
	[tilespmem:v10+s11+$0x0] =	vst.idx.add.f32.msk $0xffff, v11  }
0x291: {  	s19 =	simm.s32 @!p0 $0x0;
	s20 =	simm.s32 @!p0 $0x7D0;
	s18 =	sadd.s32 @!p0 s2, s15;
	[tilespmem:v63+s11+$0x0] =	vst.idx.add.f32.msk $0xffff, v9  }
0x292: {  	[tilespmem:s20], [sflag:$0x2] =	stream.linear.gather @!p0 [hbm4b:s18+s19], $0x190, $0x38;
	[tilespmem:$0x1C850] =	vst v63  }
0x293: {  	s18 =	sadd.s32 @!p0 s3, s15;
	s20 =	simm.s32 @!p0 $0x960  }
0x294: {  	[tilespmem:s20], [sflag:$0x2] =	stream.linear.gather @!p0 [hbm4b:s18+s19], $0x190, $0x38;
	[tilespmem:$0x1C850] =	vst v63  }
0x295: {  	s18 =	sadd.s32 @!p0 s9, s15;
	s20 =	simm.s32 @!p0 $0xAF0  }
0x296: {  	[tilespmem:s20], [sflag:$0x2] =	stream.linear.gather @!p0 [hbm4b:s18+s19], $0x190, $0x38;
	[tilespmem:$0x1C850] =	vst v63  }
.Ltmp9:
0x297: {  	_ = 	snop;
	(pc) =	sbr.rel .LBB2_13-.Ltmp9, $4  }
0x298: {  	s18 =	sadd.s32 @!p0 s10, s15;
	s20 =	simm.s32 @!p0 $0xC80  }
0x299: {  	[tilespmem:s20], [sflag:$0x2] =	stream.linear.gather @!p0 [hbm4b:s18+s19], $0x190, $0x38;
	[tilespmem:$0x1C850] =	vst v63  }
0x29a: {  	s28 =	simm.s32 $0x320;
	s15 =	sadd.s32 @!p0 s5, s15;
	s18 =	simm.s32 @!p0 $0xE10  }
0x29b: {  	[tilespmem:s18], [sflag:$0x2] =	stream.linear.gather @!p0 [hbm4b:s15+s19], $0x190, $0x38;
	[tilespmem:$0x1C850] =	vst v63  }
.LBB2_15:
0x29c: {  	_ =	sfence.sel $0x180000  }
0x29d: {  	[bflag:$0x0] =	sbarrier.arrive $0xFFFF  }
0x29e: {  	_ =	strace $0x90000047  }
0x29f: {  	s0 =	stileid.u32;
	[bflag:$0x2] =	sbarrier.arrive $0xFFFF  }
0x2a0: {  	p0 =	sne.s32 s0, $0x0;
	s0 =	rddreg [dreg:$0x5]  }
0x2a1: {  	s0 =	sadd.s32 @!p0 $0x100000, s0  }
0x2a2: {  	[sflag:s0] =	ssyncadd.tile.s32 @!p0 $0x1;
	_ =	shalt  }
.Lfunc_end2:
_tile_overlayer_lowered:
.L_overlay_start_2:
0x2a3: {  	(tag) =	ssettag $0x2  }
0x2a4: {  	s0 =	rddreg [dreg:$0x0];
	s2 =	stileid.u32  }
0x2a5: {  	s1 =	rddreg [dreg:$0x1];
	p0 =	sne.s32 s2, $0x0  }
0x2a6: {  	s3 =	rddreg [dreg:$0x2];
	[bflag:$0x3] =	sbarrier.arrive $0xFFFF;
	s2 =	simm.s32 @!p0 $0x1C05  }
0x2a7: {  	[timem:s3], [sflag:s2] =	dma.local @!p0 [hbm:s0], s1  }
0x2a8: {  	s0 =	simm.s32 @!p0 $0x5  }
0x2a9: {  	_ =	swait.ge @!p0 [sflag:s0], s1  }
0x2aa: {  	s1 =	ssub.s32 @!p0 $0x0, s1;
	[sflag:s0] =	ssyncset.done @!p0 $0x0  }
0x2ab: {  	[sflag:s0] =	ssyncadd.s32 @!p0 s1  }
0x2ac: {  	[bflag:$0x3] =	sbarrier.arrive $0xFFFF  }
0x2ad: {  	_ =	shalt  }

</sc_bundles>
